<compile_context>
chip_gen: v7x
topology: tpu7x:2x2x1
jax: 0.10.2.dev20260603
libtpu: 0.0.44.dev20260713+nightly
codegen_flags: <defaults>
</compile_context>

<pallas_src>
import functools

import jax
import jax.numpy as jnp
from jax import lax
from jax.experimental import pallas as pl
from jax.experimental.pallas import tpu as pltpu
from jax.experimental.pallas import tpu_sc as plsc

SEQ, B, D = 2048, 16, 768
POOL, L2, TOP_K = 4096, 8, 8
HALF = L2 // 2
NIDX = B * TOP_K
EPS = 1e-12

_SEQ_BLK = 128


def _mean_norm_body(x_ref, o_ref):
    i = pl.program_id(0)
    part = jnp.sum(x_ref[...], axis=0)

    @pl.when(i == 0)
    def _():
        o_ref[...] = part

    @pl.when(i > 0)
    def _():
        o_ref[...] += part

    @pl.when(i == pl.num_programs(0) - 1)
    def _():
        m = o_ref[...] * (1.0 / SEQ)
        ssq = jnp.sum(m * m, axis=1, keepdims=True)
        o_ref[...] = m * lax.rsqrt(jnp.maximum(ssq, EPS))


def _mean_norm(x3d):
    return pl.pallas_call(
        _mean_norm_body,
        grid=(SEQ // _SEQ_BLK,),
        in_specs=[pl.BlockSpec((_SEQ_BLK, B, D), lambda i: (i, 0, 0))],
        out_specs=pl.BlockSpec((B, D), lambda i: (0, 0)),
        out_shape=jax.ShapeDtypeStruct((B, D), jnp.float32),
        compiler_params=pltpu.CompilerParams(
            dimension_semantics=("arbitrary",)),
    )(x3d)


_POOL_BLK = 2048


def _pk_sim_body(xn_ref, pk_ref, pkraw_ref, pkn_ref, sim_ref, bkn_ref, rs_ref):
    i = pl.program_id(0)
    pk = pk_ref[...]
    ssq = jnp.sum(pk * pk, axis=1, keepdims=True)
    pkn = pk * lax.rsqrt(jnp.maximum(ssq, EPS))
    pkn_ref[...] = pkn
    xn = xn_ref[...]
    sim_ref[...] = lax.dot_general(
        xn, pkn, (((1,), (1,)), ((), ())),
        preferred_element_type=jnp.float32)

    @pl.when(i == pl.num_programs(0) - 1)
    def _():
        g = pkraw_ref[...]
        gssq = jnp.sum(g * g, axis=1, keepdims=True)
        bkn = g * lax.rsqrt(jnp.maximum(gssq, EPS))
        bkn_ref[...] = bkn
        xr = jnp.broadcast_to(xn[:, None, :], (B, TOP_K, D)).reshape(NIDX, D)
        rs_ref[0, 0] = jnp.sum(bkn * xr) * (1.0 / (B * TOP_K))


def _pk_sim(x_norm, prompt_key, pkraw):
    return pl.pallas_call(
        _pk_sim_body,
        grid=(POOL // _POOL_BLK,),
        in_specs=[
            pl.BlockSpec((B, D), lambda i: (0, 0)),
            pl.BlockSpec((_POOL_BLK, D), lambda i: (i, 0)),
            pl.BlockSpec((NIDX, D), lambda i: (0, 0)),
        ],
        out_specs=[
            pl.BlockSpec((_POOL_BLK, D), lambda i: (i, 0)),
            pl.BlockSpec((B, _POOL_BLK), lambda i: (0, i)),
            pl.BlockSpec((NIDX, D), lambda i: (0, 0)),
            pl.BlockSpec(memory_space=pltpu.SMEM),
        ],
        out_shape=[
            jax.ShapeDtypeStruct((POOL, D), jnp.float32),
            jax.ShapeDtypeStruct((B, POOL), jnp.float32),
            jax.ShapeDtypeStruct((NIDX, D), jnp.float32),
            jax.ShapeDtypeStruct((1, 1), jnp.float32),
        ],
    )(x_norm, prompt_key, pkraw)


def _sc_gather_body(tab_ref, idx_ref, pk_ref, key_ref, val_ref, pkraw_ref,
                    idx_v, rows_v, pkrows_v, sem):
    b = lax.axis_index("s")

    pltpu.sync_copy(idx_ref.at[b], idx_v)
    pltpu.async_copy(tab_ref.at[idx_v], rows_v, sem).wait()
    o0 = pl.multiple_of(32 * b, 32)
    handles = []
    for k in range(TOP_K):
        handles.append(pltpu.async_copy(
            rows_v.at[k, pl.ds(0, HALF)],
            key_ref.at[pl.ds(o0 + HALF * k, HALF)], sem))
        handles.append(pltpu.async_copy(
            rows_v.at[k, pl.ds(HALF, HALF)],
            val_ref.at[pl.ds(o0 + HALF * k, HALF)], sem))
    handles.append(pltpu.async_copy(pk_ref.at[idx_v], pkrows_v, sem))
    for h in handles:
        h.wait()
    pltpu.sync_copy(pkrows_v, pkraw_ref.at[pl.ds(pl.multiple_of(8 * b, 8), 8)])


@functools.cache
def _sc_gather_fn():
    mesh = plsc.VectorSubcoreMesh(
        core_axis_name="c", subcore_axis_name="s", num_cores=1)
    return pl.kernel(
        _sc_gather_body,
        out_type=(
            jax.ShapeDtypeStruct((B * TOP_K * HALF, D), jnp.float32),
            jax.ShapeDtypeStruct((B * TOP_K * HALF, D), jnp.float32),
            jax.ShapeDtypeStruct((NIDX, D), jnp.float32),
        ),
        mesh=mesh,
        scratch_types=(
            pltpu.VMEM((8,), jnp.int32),
            pltpu.VMEM((8, L2, D), jnp.float32),
            pltpu.VMEM((8, D), jnp.float32),
            pltpu.SemaphoreType.DMA,
        ),
    )


def kernel(x_embed, prompt_mask, cls_features, prompt, prompt_key):
    del cls_features
    key_rows, val_rows, pkraw = _sc_gather_fn()(prompt, prompt_mask, prompt_key)

    x_norm = _mean_norm(x_embed)
    pk_norm, similarity, bkn, rs = _pk_sim(x_norm, prompt_key, pkraw)

    key_prompt = key_rows.reshape(B, TOP_K * HALF, D)
    value_prompt = val_rows.reshape(B, TOP_K * HALF, D)
    batched_key_norm = bkn.reshape(B, TOP_K, D)
    reduce_sim = rs[0, 0]
    return (similarity, prompt_mask, key_prompt, value_prompt,
            batched_key_norm, pk_norm, x_norm, reduce_sim)

# --- scband reference (transcript-rebuilt; emitter-appended) ---
"""Pipeline reference for scband-eprompt-49847390438069 (READ-ONLY COPY).

The authoritative reference and input builder live on the scoring server;
editing this copy changes nothing except your own understanding.
"""

import jax, jax.numpy as jnp
import numpy as np

SEQ, B, D = 2048, 16, 768
POOL, LENGTH2, TOP_K = 4096, 8, 8  # LENGTH2 = length*2


def l2_normalize(x, axis=-1, epsilon=1e-12):
    square_sum = jnp.sum(x ** 2, axis=axis, keepdims=True)
    x_inv_norm = jax.lax.rsqrt(jnp.maximum(square_sum, epsilon))
    return x * x_inv_norm


def setup_inputs(seed: int = 0) -> dict:
    key = jax.random.key(seed)
    k1, k2, k3, k4, k5 = jax.random.split(key, 5)
    x_embed = jax.random.normal(k1, (SEQ, B, D), dtype=jnp.float32)
    prompt_mask = jax.random.randint(k2, (B, TOP_K), 0, POOL, dtype=jnp.int32)
    cls_features = jax.random.normal(k3, (1, B, D), dtype=jnp.float32)
    prompt = jax.random.uniform(k4, (POOL, LENGTH2, D), dtype=jnp.float32, minval=-1.0, maxval=1.0)
    prompt_key = jax.random.uniform(k5, (POOL, D), dtype=jnp.float32, minval=-1.0, maxval=1.0)
    return {"x_embed": x_embed, "prompt_mask": prompt_mask, "cls_features": cls_features, "prompt": prompt, "prompt_key": prompt_key}


def reference(x_embed, prompt_mask, cls_features, prompt, prompt_key):
    cls_features = jnp.swapaxes(cls_features, 0, 1)
    x = jnp.swapaxes(x_embed, 0, 1)  # [B, SEQ, D]
    # embedding_key == 'mean'
    x_embed_mean = jnp.mean(x, axis=1)  # [B, D]
    prompt_key_norm = l2_normalize(prompt_key, axis=-1)  # [POOL, D]
    x_embed_norm = l2_normalize(x_embed_mean, axis=-1)  # [B, D]
    similarity = jnp.matmul(prompt_key_norm, x_embed_norm.T)  # [POOL, B]
    similarity = similarity.T  # [B, POOL]
    similarity_top_k, idx = jax.lax.top_k(similarity, TOP_K)  # [B, TOP_K]
    # batchwise_prompt == False; prompt_mask is provided -> overrides idx
    idx = prompt_mask
    batched_prompt_raw = jnp.take(prompt, idx, axis=0)  # [B, TOP_K, LENGTH2, D]
    bs, tk, length, c = batched_prompt_raw.shape
    key_prompt = batched_prompt_raw[:, :, : length // 2, :].reshape(bs, tk * (length // 2), c)
    value_prompt = batched_prompt_raw[:, :, length // 2 :, :].reshape(bs, tk * (length // 2), c)
    batched_key_norm = jnp.take(prompt_key_norm, idx, axis=0)  # [B, TOP_K, D]
    x_embed_norm_u = x_embed_norm[:, None, :]  # [B, 1, D]
    sim = batched_key_norm * x_embed_norm_u
    reduce_sim = jnp.sum(sim) / (x_embed_norm_u.shape[0] * TOP_K)
    return (similarity, idx, key_prompt, value_prompt, batched_key_norm, prompt_key_norm, x_embed_norm, reduce_sim)

if __name__ == "__main__":
    import jax
    _d = setup_inputs()
    print(jax.jit(kernel)(*tuple(_d.values())))

</pallas_src>

<mosaic_0001>
#map = affine_map<(d0, d1) -> (0, 0, 0)>
#map1 = affine_map<(d0, d1) -> (0, 0)>
module attributes {stable_mosaic.version = 14 : i64} {
  func.func @_sc_gather_body(%arg0: i32, %arg1: i32, %arg2: memref<4096x8x768xf32, #tpu.memory_space<hbm>>, %arg3: memref<16x8xi32, #tpu.memory_space<hbm>>, %arg4: memref<4096x768xf32, #tpu.memory_space<hbm>>, %arg5: memref<512x768xf32, #tpu.memory_space<hbm>>, %arg6: memref<512x768xf32, #tpu.memory_space<hbm>>, %arg7: memref<128x768xf32, #tpu.memory_space<hbm>>, %arg8: memref<8xi32, #tpu.memory_space<vmem>>, %arg9: memref<8x8x768xf32, #tpu.memory_space<vmem>>, %arg10: memref<8x768xf32, #tpu.memory_space<vmem>>, %arg11: memref<!tpu.dma_semaphore, #tpu.memory_space<semaphore_mem>>) attributes {dimension_semantics = [#tpu.dimension_semantics<core_parallel>, #tpu.dimension_semantics<subcore_parallel>], iteration_bounds = array<i64: 1, 16>, scalar_prefetch = 0 : i64, scratch_operands = 4 : i64, tpu.core_type = #tpu.core_type<sc_vector_subcore>, window_params = [{transform_indices = #map}, {transform_indices = #map1}, {transform_indices = #map1}, {transform_indices = #map1}, {transform_indices = #map1}, {transform_indices = #map1}]} {
    "tpu.region"() ({
      %run_scoped3A = tpu.sem_alloc : memref<!tpu.dma_semaphore, #tpu.memory_space<semaphore_mem>>
      %dma_start3A_463 = arith.constant 0 : i32
      %dma_start3A_464 = tpu.memref_slice %arg3[%arg1, %dma_start3A_463] : memref<16x8xi32, #tpu.memory_space<hbm>> -> memref<1x8xi32, #tpu.memory_space<hbm>>
      %dma_start3A_465 = tpu.memref_squeeze %dma_start3A_464 : memref<1x8xi32, #tpu.memory_space<hbm>> -> memref<8xi32, #tpu.memory_space<hbm>>
      %dma_start3A_466 = arith.constant 0 : i32
      %dma_start3A_467 = tpu.memref_slice %arg3[%arg1, %dma_start3A_466] : memref<16x8xi32, #tpu.memory_space<hbm>> -> memref<1x8xi32, #tpu.memory_space<hbm>>
      %dma_start3A_468 = tpu.memref_squeeze %dma_start3A_467 : memref<1x8xi32, #tpu.memory_space<hbm>> -> memref<8xi32, #tpu.memory_space<hbm>>
      tpu.enqueue_dma source(%dma_start3A_468 : memref<8xi32, #tpu.memory_space<hbm>>) target(%arg8 : memref<8xi32, #tpu.memory_space<vmem>>) target_semaphore(%run_scoped3A : memref<!tpu.dma_semaphore, #tpu.memory_space<semaphore_mem>>)
      %dma_wait3A_469 = arith.constant 0 : i32
      %dma_wait3A_470 = tpu.memref_slice %arg3[%arg1, %dma_wait3A_469] : memref<16x8xi32, #tpu.memory_space<hbm>> -> memref<1x8xi32, #tpu.memory_space<hbm>>
      %dma_wait3A_471 = tpu.memref_squeeze %dma_wait3A_470 : memref<1x8xi32, #tpu.memory_space<hbm>> -> memref<8xi32, #tpu.memory_space<hbm>>
      %dma_wait3A_472 = arith.constant 0 : i32
      %dma_wait3A_473 = tpu.memref_slice %arg3[%arg1, %dma_wait3A_472] : memref<16x8xi32, #tpu.memory_space<hbm>> -> memref<1x8xi32, #tpu.memory_space<hbm>>
      %dma_wait3A_474 = tpu.memref_squeeze %dma_wait3A_473 : memref<1x8xi32, #tpu.memory_space<hbm>> -> memref<8xi32, #tpu.memory_space<hbm>>
      tpu.wait_dma2 semaphore(%run_scoped3A : memref<!tpu.dma_semaphore, #tpu.memory_space<semaphore_mem>>) src(%dma_wait3A_474 : memref<8xi32, #tpu.memory_space<hbm>>) dst(%arg8 : memref<8xi32, #tpu.memory_space<vmem>>)
      tpu.yield
    }) : () -> ()
    %dma_start3A = arith.constant 0 : i32
    %dma_start3A_0 = arith.constant 0 : i32
    %dma_start3A_1 = arith.constant 0 : i32
    %dma_start3A_2 = tpu.memref_slice %arg2[%dma_start3A, %dma_start3A_0, %dma_start3A_1] : memref<4096x8x768xf32, #tpu.memory_space<hbm>> -> memref<4096x8x768xf32, #tpu.memory_space<hbm>>
    tpu.enqueue_indirect_dma source(%dma_start3A_2 : memref<4096x8x768xf32, #tpu.memory_space<hbm>>) target(%arg9 : memref<8x8x768xf32, #tpu.memory_space<vmem>>) offsets(%arg8 : memref<8xi32, #tpu.memory_space<vmem>>) semaphore(%arg11 : memref<!tpu.dma_semaphore, #tpu.memory_space<semaphore_mem>>)
    %dma_wait3A = arith.constant 0 : i32
    %dma_wait3A_3 = arith.constant 0 : i32
    %dma_wait3A_4 = arith.constant 0 : i32
    %dma_wait3A_5 = tpu.memref_slice %arg2[%dma_wait3A, %dma_wait3A_3, %dma_wait3A_4] : memref<4096x8x768xf32, #tpu.memory_space<hbm>> -> memref<4096x8x768xf32, #tpu.memory_space<hbm>>
    tpu.wait_indirect_dma semaphore(%arg11 : memref<!tpu.dma_semaphore, #tpu.memory_space<semaphore_mem>>) src(%dma_wait3A_5 : memref<4096x8x768xf32, #tpu.memory_space<hbm>>) dst(%arg9 : memref<8x8x768xf32, #tpu.memory_space<vmem>>)
    %mul3A = arith.constant 32 : i32
    %mul3A_6 = arith.muli %mul3A, %arg1 : i32
    %multiple_of3A = tpu.assume_multiple %mul3A_6, 32 : i32
    %add3A = arith.constant 0 : i32
    %add3A_7 = arith.addi %multiple_of3A, %add3A : i32
    %dma_start3A_8 = arith.constant 0 : i32
    %dma_start3A_9 = arith.constant 0 : i32
    %dma_start3A_10 = arith.constant 0 : i32
    %dma_start3A_11 = tpu.memref_slice %arg9[%dma_start3A_8, %dma_start3A_9, %dma_start3A_10] : memref<8x8x768xf32, #tpu.memory_space<vmem>> -> memref<1x4x768xf32, #tpu.memory_space<vmem>>
    %dma_start3A_12 = tpu.memref_squeeze %dma_start3A_11 : memref<1x4x768xf32, #tpu.memory_space<vmem>> -> memref<4x768xf32, #tpu.memory_space<vmem>>
    %dma_start3A_13 = arith.constant 0 : i32
    %dma_start3A_14 = tpu.memref_slice %arg5[%add3A_7, %dma_start3A_13] : memref<512x768xf32, #tpu.memory_space<hbm>> -> memref<4x768xf32, #tpu.memory_space<hbm>>
    %dma_start3A_15 = arith.constant 0 : i32
    %dma_start3A_16 = tpu.memref_slice %arg5[%add3A_7, %dma_start3A_15] : memref<512x768xf32, #tpu.memory_space<hbm>> -> memref<4x768xf32, #tpu.memory_space<hbm>>
    %dma_start3A_17 = arith.constant 0 : i32
    %dma_start3A_18 = arith.constant 0 : i32
    %dma_start3A_19 = tpu.memref_slice %arg9[%dma_start3A_8, %dma_start3A_17, %dma_start3A_18] : memref<8x8x768xf32, #tpu.memory_space<vmem>> -> memref<1x4x768xf32, #tpu.memory_space<vmem>>
    %dma_start3A_20 = tpu.memref_squeeze %dma_start3A_19 : memref<1x4x768xf32, #tpu.memory_space<vmem>> -> memref<4x768xf32, #tpu.memory_space<vmem>>
    tpu.enqueue_dma source(%dma_start3A_20 : memref<4x768xf32, #tpu.memory_space<vmem>>) target(%dma_start3A_16 : memref<4x768xf32, #tpu.memory_space<hbm>>) target_semaphore(%arg11 : memref<!tpu.dma_semaphore, #tpu.memory_space<semaphore_mem>>)
    %add3A_21 = arith.constant 0 : i32
    %add3A_22 = arith.addi %multiple_of3A, %add3A_21 : i32
    %dma_start3A_23 = arith.constant 0 : i32
    %dma_start3A_24 = arith.constant 4 : i32
    %dma_start3A_25 = arith.constant 0 : i32
    %dma_start3A_26 = tpu.memref_slice %arg9[%dma_start3A_23, %dma_start3A_24, %dma_start3A_25] : memref<8x8x768xf32, #tpu.memory_space<vmem>> -> memref<1x4x768xf32, #tpu.memory_space<vmem>>
    %dma_start3A_27 = tpu.memref_squeeze %dma_start3A_26 : memref<1x4x768xf32, #tpu.memory_space<vmem>> -> memref<4x768xf32, #tpu.memory_space<vmem>>
    %dma_start3A_28 = arith.constant 0 : i32
    %dma_start3A_29 = tpu.memref_slice %arg6[%add3A_22, %dma_start3A_28] : memref<512x768xf32, #tpu.memory_space<hbm>> -> memref<4x768xf32, #tpu.memory_space<hbm>>
    %dma_start3A_30 = arith.constant 0 : i32
    %dma_start3A_31 = tpu.memref_slice %arg6[%add3A_22, %dma_start3A_30] : memref<512x768xf32, #tpu.memory_space<hbm>> -> memref<4x768xf32, #tpu.memory_space<hbm>>
    %dma_start3A_32 = arith.constant 4 : i32
    %dma_start3A_33 = arith.constant 0 : i32
    %dma_start3A_34 = tpu.memref_slice %arg9[%dma_start3A_23, %dma_start3A_32, %dma_start3A_33] : memref<8x8x768xf32, #tpu.memory_space<vmem>> -> memref<1x4x768xf32, #tpu.memory_space<vmem>>
    %dma_start3A_35 = tpu.memref_squeeze %dma_start3A_34 : memref<1x4x768xf32, #tpu.memory_space<vmem>> -> memref<4x768xf32, #tpu.memory_space<vmem>>
    tpu.enqueue_dma source(%dma_start3A_35 : memref<4x768xf32, #tpu.memory_space<vmem>>) target(%dma_start3A_31 : memref<4x768xf32, #tpu.memory_space<hbm>>) target_semaphore(%arg11 : memref<!tpu.dma_semaphore, #tpu.memory_space<semaphore_mem>>)
    %add3A_36 = arith.constant 4 : i32
    %add3A_37 = arith.addi %multiple_of3A, %add3A_36 : i32
    %dma_start3A_38 = arith.constant 1 : i32
    %dma_start3A_39 = arith.constant 0 : i32
    %dma_start3A_40 = arith.constant 0 : i32
    %dma_start3A_41 = tpu.memref_slice %arg9[%dma_start3A_38, %dma_start3A_39, %dma_start3A_40] : memref<8x8x768xf32, #tpu.memory_space<vmem>> -> memref<1x4x768xf32, #tpu.memory_space<vmem>>
    %dma_start3A_42 = tpu.memref_squeeze %dma_start3A_41 : memref<1x4x768xf32, #tpu.memory_space<vmem>> -> memref<4x768xf32, #tpu.memory_space<vmem>>
    %dma_start3A_43 = arith.constant 0 : i32
    %dma_start3A_44 = tpu.memref_slice %arg5[%add3A_37, %dma_start3A_43] : memref<512x768xf32, #tpu.memory_space<hbm>> -> memref<4x768xf32, #tpu.memory_space<hbm>>
    %dma_start3A_45 = arith.constant 0 : i32
    %dma_start3A_46 = tpu.memref_slice %arg5[%add3A_37, %dma_start3A_45] : memref<512x768xf32, #tpu.memory_space<hbm>> -> memref<4x768xf32, #tpu.memory_space<hbm>>
    %dma_start3A_47 = arith.constant 0 : i32
    %dma_start3A_48 = arith.constant 0 : i32
    %dma_start3A_49 = tpu.memref_slice %arg9[%dma_start3A_38, %dma_start3A_47, %dma_start3A_48] : memref<8x8x768xf32, #tpu.memory_space<vmem>> -> memref<1x4x768xf32, #tpu.memory_space<vmem>>
    %dma_start3A_50 = tpu.memref_squeeze %dma_start3A_49 : memref<1x4x768xf32, #tpu.memory_space<vmem>> -> memref<4x768xf32, #tpu.memory_space<vmem>>
    tpu.enqueue_dma source(%dma_start3A_50 : memref<4x768xf32, #tpu.memory_space<vmem>>) target(%dma_start3A_46 : memref<4x768xf32, #tpu.memory_space<hbm>>) target_semaphore(%arg11 : memref<!tpu.dma_semaphore, #tpu.memory_space<semaphore_mem>>)
    %add3A_51 = arith.constant 4 : i32
    %add3A_52 = arith.addi %multiple_of3A, %add3A_51 : i32
    %dma_start3A_53 = arith.constant 1 : i32
    %dma_start3A_54 = arith.constant 4 : i32
    %dma_start3A_55 = arith.constant 0 : i32
    %dma_start3A_56 = tpu.memref_slice %arg9[%dma_start3A_53, %dma_start3A_54, %dma_start3A_55] : memref<8x8x768xf32, #tpu.memory_space<vmem>> -> memref<1x4x768xf32, #tpu.memory_space<vmem>>
    %dma_start3A_57 = tpu.memref_squeeze %dma_start3A_56 : memref<1x4x768xf32, #tpu.memory_space<vmem>> -> memref<4x768xf32, #tpu.memory_space<vmem>>
    %dma_start3A_58 = arith.constant 0 : i32
    %dma_start3A_59 = tpu.memref_slice %arg6[%add3A_52, %dma_start3A_58] : memref<512x768xf32, #tpu.memory_space<hbm>> -> memref<4x768xf32, #tpu.memory_space<hbm>>
    %dma_start3A_60 = arith.constant 0 : i32
    %dma_start3A_61 = tpu.memref_slice %arg6[%add3A_52, %dma_start3A_60] : memref<512x768xf32, #tpu.memory_space<hbm>> -> memref<4x768xf32, #tpu.memory_space<hbm>>
    %dma_start3A_62 = arith.constant 4 : i32
    %dma_start3A_63 = arith.constant 0 : i32
    %dma_start3A_64 = tpu.memref_slice %arg9[%dma_start3A_53, %dma_start3A_62, %dma_start3A_63] : memref<8x8x768xf32, #tpu.memory_space<vmem>> -> memref<1x4x768xf32, #tpu.memory_space<vmem>>
    %dma_start3A_65 = tpu.memref_squeeze %dma_start3A_64 : memref<1x4x768xf32, #tpu.memory_space<vmem>> -> memref<4x768xf32, #tpu.memory_space<vmem>>
    tpu.enqueue_dma source(%dma_start3A_65 : memref<4x768xf32, #tpu.memory_space<vmem>>) target(%dma_start3A_61 : memref<4x768xf32, #tpu.memory_space<hbm>>) target_semaphore(%arg11 : memref<!tpu.dma_semaphore, #tpu.memory_space<semaphore_mem>>)
    %add3A_66 = arith.constant 8 : i32
    %add3A_67 = arith.addi %multiple_of3A, %add3A_66 : i32
    %dma_start3A_68 = arith.constant 2 : i32
    %dma_start3A_69 = arith.constant 0 : i32
    %dma_start3A_70 = arith.constant 0 : i32
    %dma_start3A_71 = tpu.memref_slice %arg9[%dma_start3A_68, %dma_start3A_69, %dma_start3A_70] : memref<8x8x768xf32, #tpu.memory_space<vmem>> -> memref<1x4x768xf32, #tpu.memory_space<vmem>>
    %dma_start3A_72 = tpu.memref_squeeze %dma_start3A_71 : memref<1x4x768xf32, #tpu.memory_space<vmem>> -> memref<4x768xf32, #tpu.memory_space<vmem>>
    %dma_start3A_73 = arith.constant 0 : i32
    %dma_start3A_74 = tpu.memref_slice %arg5[%add3A_67, %dma_start3A_73] : memref<512x768xf32, #tpu.memory_space<hbm>> -> memref<4x768xf32, #tpu.memory_space<hbm>>
    %dma_start3A_75 = arith.constant 0 : i32
    %dma_start3A_76 = tpu.memref_slice %arg5[%add3A_67, %dma_start3A_75] : memref<512x768xf32, #tpu.memory_space<hbm>> -> memref<4x768xf32, #tpu.memory_space<hbm>>
    %dma_start3A_77 = arith.constant 0 : i32
    %dma_start3A_78 = arith.constant 0 : i32
    %dma_start3A_79 = tpu.memref_slice %arg9[%dma_start3A_68, %dma_start3A_77, %dma_start3A_78] : memref<8x8x768xf32, #tpu.memory_space<vmem>> -> memref<1x4x768xf32, #tpu.memory_space<vmem>>
    %dma_start3A_80 = tpu.memref_squeeze %dma_start3A_79 : memref<1x4x768xf32, #tpu.memory_space<vmem>> -> memref<4x768xf32, #tpu.memory_space<vmem>>
    tpu.enqueue_dma source(%dma_start3A_80 : memref<4x768xf32, #tpu.memory_space<vmem>>) target(%dma_start3A_76 : memref<4x768xf32, #tpu.memory_space<hbm>>) target_semaphore(%arg11 : memref<!tpu.dma_semaphore, #tpu.memory_space<semaphore_mem>>)
    %add3A_81 = arith.constant 8 : i32
    %add3A_82 = arith.addi %multiple_of3A, %add3A_81 : i32
    %dma_start3A_83 = arith.constant 2 : i32
    %dma_start3A_84 = arith.constant 4 : i32
    %dma_start3A_85 = arith.constant 0 : i32
    %dma_start3A_86 = tpu.memref_slice %arg9[%dma_start3A_83, %dma_start3A_84, %dma_start3A_85] : memref<8x8x768xf32, #tpu.memory_space<vmem>> -> memref<1x4x768xf32, #tpu.memory_space<vmem>>
    %dma_start3A_87 = tpu.memref_squeeze %dma_start3A_86 : memref<1x4x768xf32, #tpu.memory_space<vmem>> -> memref<4x768xf32, #tpu.memory_space<vmem>>
    %dma_start3A_88 = arith.constant 0 : i32
    %dma_start3A_89 = tpu.memref_slice %arg6[%add3A_82, %dma_start3A_88] : memref<512x768xf32, #tpu.memory_space<hbm>> -> memref<4x768xf32, #tpu.memory_space<hbm>>
    %dma_start3A_90 = arith.constant 0 : i32
    %dma_start3A_91 = tpu.memref_slice %arg6[%add3A_82, %dma_start3A_90] : memref<512x768xf32, #tpu.memory_space<hbm>> -> memref<4x768xf32, #tpu.memory_space<hbm>>
    %dma_start3A_92 = arith.constant 4 : i32
    %dma_start3A_93 = arith.constant 0 : i32
    %dma_start3A_94 = tpu.memref_slice %arg9[%dma_start3A_83, %dma_start3A_92, %dma_start3A_93] : memref<8x8x768xf32, #tpu.memory_space<vmem>> -> memref<1x4x768xf32, #tpu.memory_space<vmem>>
    %dma_start3A_95 = tpu.memref_squeeze %dma_start3A_94 : memref<1x4x768xf32, #tpu.memory_space<vmem>> -> memref<4x768xf32, #tpu.memory_space<vmem>>
    tpu.enqueue_dma source(%dma_start3A_95 : memref<4x768xf32, #tpu.memory_space<vmem>>) target(%dma_start3A_91 : memref<4x768xf32, #tpu.memory_space<hbm>>) target_semaphore(%arg11 : memref<!tpu.dma_semaphore, #tpu.memory_space<semaphore_mem>>)
    %add3A_96 = arith.constant 12 : i32
    %add3A_97 = arith.addi %multiple_of3A, %add3A_96 : i32
    %dma_start3A_98 = arith.constant 3 : i32
    %dma_start3A_99 = arith.constant 0 : i32
    %dma_start3A_100 = arith.constant 0 : i32
    %dma_start3A_101 = tpu.memref_slice %arg9[%dma_start3A_98, %dma_start3A_99, %dma_start3A_100] : memref<8x8x768xf32, #tpu.memory_space<vmem>> -> memref<1x4x768xf32, #tpu.memory_space<vmem>>
    %dma_start3A_102 = tpu.memref_squeeze %dma_start3A_101 : memref<1x4x768xf32, #tpu.memory_space<vmem>> -> memref<4x768xf32, #tpu.memory_space<vmem>>
    %dma_start3A_103 = arith.constant 0 : i32
    %dma_start3A_104 = tpu.memref_slice %arg5[%add3A_97, %dma_start3A_103] : memref<512x768xf32, #tpu.memory_space<hbm>> -> memref<4x768xf32, #tpu.memory_space<hbm>>
    %dma_start3A_105 = arith.constant 0 : i32
    %dma_start3A_106 = tpu.memref_slice %arg5[%add3A_97, %dma_start3A_105] : memref<512x768xf32, #tpu.memory_space<hbm>> -> memref<4x768xf32, #tpu.memory_space<hbm>>
    %dma_start3A_107 = arith.constant 0 : i32
    %dma_start3A_108 = arith.constant 0 : i32
    %dma_start3A_109 = tpu.memref_slice %arg9[%dma_start3A_98, %dma_start3A_107, %dma_start3A_108] : memref<8x8x768xf32, #tpu.memory_space<vmem>> -> memref<1x4x768xf32, #tpu.memory_space<vmem>>
    %dma_start3A_110 = tpu.memref_squeeze %dma_start3A_109 : memref<1x4x768xf32, #tpu.memory_space<vmem>> -> memref<4x768xf32, #tpu.memory_space<vmem>>
    tpu.enqueue_dma source(%dma_start3A_110 : memref<4x768xf32, #tpu.memory_space<vmem>>) target(%dma_start3A_106 : memref<4x768xf32, #tpu.memory_space<hbm>>) target_semaphore(%arg11 : memref<!tpu.dma_semaphore, #tpu.memory_space<semaphore_mem>>)
    %add3A_111 = arith.constant 12 : i32
    %add3A_112 = arith.addi %multiple_of3A, %add3A_111 : i32
    %dma_start3A_113 = arith.constant 3 : i32
    %dma_start3A_114 = arith.constant 4 : i32
    %dma_start3A_115 = arith.constant 0 : i32
    %dma_start3A_116 = tpu.memref_slice %arg9[%dma_start3A_113, %dma_start3A_114, %dma_start3A_115] : memref<8x8x768xf32, #tpu.memory_space<vmem>> -> memref<1x4x768xf32, #tpu.memory_space<vmem>>
    %dma_start3A_117 = tpu.memref_squeeze %dma_start3A_116 : memref<1x4x768xf32, #tpu.memory_space<vmem>> -> memref<4x768xf32, #tpu.memory_space<vmem>>
    %dma_start3A_118 = arith.constant 0 : i32
    %dma_start3A_119 = tpu.memref_slice %arg6[%add3A_112, %dma_start3A_118] : memref<512x768xf32, #tpu.memory_space<hbm>> -> memref<4x768xf32, #tpu.memory_space<hbm>>
    %dma_start3A_120 = arith.constant 0 : i32
    %dma_start3A_121 = tpu.memref_slice %arg6[%add3A_112, %dma_start3A_120] : memref<512x768xf32, #tpu.memory_space<hbm>> -> memref<4x768xf32, #tpu.memory_space<hbm>>
    %dma_start3A_122 = arith.constant 4 : i32
    %dma_start3A_123 = arith.constant 0 : i32
    %dma_start3A_124 = tpu.memref_slice %arg9[%dma_start3A_113, %dma_start3A_122, %dma_start3A_123] : memref<8x8x768xf32, #tpu.memory_space<vmem>> -> memref<1x4x768xf32, #tpu.memory_space<vmem>>
    %dma_start3A_125 = tpu.memref_squeeze %dma_start3A_124 : memref<1x4x768xf32, #tpu.memory_space<vmem>> -> memref<4x768xf32, #tpu.memory_space<vmem>>
    tpu.enqueue_dma source(%dma_start3A_125 : memref<4x768xf32, #tpu.memory_space<vmem>>) target(%dma_start3A_121 : memref<4x768xf32, #tpu.memory_space<hbm>>) target_semaphore(%arg11 : memref<!tpu.dma_semaphore, #tpu.memory_space<semaphore_mem>>)
    %add3A_126 = arith.constant 16 : i32
    %add3A_127 = arith.addi %multiple_of3A, %add3A_126 : i32
    %dma_start3A_128 = arith.constant 4 : i32
    %dma_start3A_129 = arith.constant 0 : i32
    %dma_start3A_130 = arith.constant 0 : i32
    %dma_start3A_131 = tpu.memref_slice %arg9[%dma_start3A_128, %dma_start3A_129, %dma_start3A_130] : memref<8x8x768xf32, #tpu.memory_space<vmem>> -> memref<1x4x768xf32, #tpu.memory_space<vmem>>
    %dma_start3A_132 = tpu.memref_squeeze %dma_start3A_131 : memref<1x4x768xf32, #tpu.memory_space<vmem>> -> memref<4x768xf32, #tpu.memory_space<vmem>>
    %dma_start3A_133 = arith.constant 0 : i32
    %dma_start3A_134 = tpu.memref_slice %arg5[%add3A_127, %dma_start3A_133] : memref<512x768xf32, #tpu.memory_space<hbm>> -> memref<4x768xf32, #tpu.memory_space<hbm>>
    %dma_start3A_135 = arith.constant 0 : i32
    %dma_start3A_136 = tpu.memref_slice %arg5[%add3A_127, %dma_start3A_135] : memref<512x768xf32, #tpu.memory_space<hbm>> -> memref<4x768xf32, #tpu.memory_space<hbm>>
    %dma_start3A_137 = arith.constant 0 : i32
    %dma_start3A_138 = arith.constant 0 : i32
    %dma_start3A_139 = tpu.memref_slice %arg9[%dma_start3A_128, %dma_start3A_137, %dma_start3A_138] : memref<8x8x768xf32, #tpu.memory_space<vmem>> -> memref<1x4x768xf32, #tpu.memory_space<vmem>>
    %dma_start3A_140 = tpu.memref_squeeze %dma_start3A_139 : memref<1x4x768xf32, #tpu.memory_space<vmem>> -> memref<4x768xf32, #tpu.memory_space<vmem>>
    tpu.enqueue_dma source(%dma_start3A_140 : memref<4x768xf32, #tpu.memory_space<vmem>>) target(%dma_start3A_136 : memref<4x768xf32, #tpu.memory_space<hbm>>) target_semaphore(%arg11 : memref<!tpu.dma_semaphore, #tpu.memory_space<semaphore_mem>>)
    %add3A_141 = arith.constant 16 : i32
    %add3A_142 = arith.addi %multiple_of3A, %add3A_141 : i32
    %dma_start3A_143 = arith.constant 4 : i32
    %dma_start3A_144 = arith.constant 4 : i32
    %dma_start3A_145 = arith.constant 0 : i32
    %dma_start3A_146 = tpu.memref_slice %arg9[%dma_start3A_143, %dma_start3A_144, %dma_start3A_145] : memref<8x8x768xf32, #tpu.memory_space<vmem>> -> memref<1x4x768xf32, #tpu.memory_space<vmem>>
    %dma_start3A_147 = tpu.memref_squeeze %dma_start3A_146 : memref<1x4x768xf32, #tpu.memory_space<vmem>> -> memref<4x768xf32, #tpu.memory_space<vmem>>
    %dma_start3A_148 = arith.constant 0 : i32
    %dma_start3A_149 = tpu.memref_slice %arg6[%add3A_142, %dma_start3A_148] : memref<512x768xf32, #tpu.memory_space<hbm>> -> memref<4x768xf32, #tpu.memory_space<hbm>>
    %dma_start3A_150 = arith.constant 0 : i32
    %dma_start3A_151 = tpu.memref_slice %arg6[%add3A_142, %dma_start3A_150] : memref<512x768xf32, #tpu.memory_space<hbm>> -> memref<4x768xf32, #tpu.memory_space<hbm>>
    %dma_start3A_152 = arith.constant 4 : i32
    %dma_start3A_153 = arith.constant 0 : i32
    %dma_start3A_154 = tpu.memref_slice %arg9[%dma_start3A_143, %dma_start3A_152, %dma_start3A_153] : memref<8x8x768xf32, #tpu.memory_space<vmem>> -> memref<1x4x768xf32, #tpu.memory_space<vmem>>
    %dma_start3A_155 = tpu.memref_squeeze %dma_start3A_154 : memref<1x4x768xf32, #tpu.memory_space<vmem>> -> memref<4x768xf32, #tpu.memory_space<vmem>>
    tpu.enqueue_dma source(%dma_start3A_155 : memref<4x768xf32, #tpu.memory_space<vmem>>) target(%dma_start3A_151 : memref<4x768xf32, #tpu.memory_space<hbm>>) target_semaphore(%arg11 : memref<!tpu.dma_semaphore, #tpu.memory_space<semaphore_mem>>)
    %add3A_156 = arith.constant 20 : i32
    %add3A_157 = arith.addi %multiple_of3A, %add3A_156 : i32
    %dma_start3A_158 = arith.constant 5 : i32
    %dma_start3A_159 = arith.constant 0 : i32
    %dma_start3A_160 = arith.constant 0 : i32
    %dma_start3A_161 = tpu.memref_slice %arg9[%dma_start3A_158, %dma_start3A_159, %dma_start3A_160] : memref<8x8x768xf32, #tpu.memory_space<vmem>> -> memref<1x4x768xf32, #tpu.memory_space<vmem>>
    %dma_start3A_162 = tpu.memref_squeeze %dma_start3A_161 : memref<1x4x768xf32, #tpu.memory_space<vmem>> -> memref<4x768xf32, #tpu.memory_space<vmem>>
    %dma_start3A_163 = arith.constant 0 : i32
    %dma_start3A_164 = tpu.memref_slice %arg5[%add3A_157, %dma_start3A_163] : memref<512x768xf32, #tpu.memory_space<hbm>> -> memref<4x768xf32, #tpu.memory_space<hbm>>
    %dma_start3A_165 = arith.constant 0 : i32
    %dma_start3A_166 = tpu.memref_slice %arg5[%add3A_157, %dma_start3A_165] : memref<512x768xf32, #tpu.memory_space<hbm>> -> memref<4x768xf32, #tpu.memory_space<hbm>>
    %dma_start3A_167 = arith.constant 0 : i32
    %dma_start3A_168 = arith.constant 0 : i32
    %dma_start3A_169 = tpu.memref_slice %arg9[%dma_start3A_158, %dma_start3A_167, %dma_start3A_168] : memref<8x8x768xf32, #tpu.memory_space<vmem>> -> memref<1x4x768xf32, #tpu.memory_space<vmem>>
    %dma_start3A_170 = tpu.memref_squeeze %dma_start3A_169 : memref<1x4x768xf32, #tpu.memory_space<vmem>> -> memref<4x768xf32, #tpu.memory_space<vmem>>
    tpu.enqueue_dma source(%dma_start3A_170 : memref<4x768xf32, #tpu.memory_space<vmem>>) target(%dma_start3A_166 : memref<4x768xf32, #tpu.memory_space<hbm>>) target_semaphore(%arg11 : memref<!tpu.dma_semaphore, #tpu.memory_space<semaphore_mem>>)
    %add3A_171 = arith.constant 20 : i32
    %add3A_172 = arith.addi %multiple_of3A, %add3A_171 : i32
    %dma_start3A_173 = arith.constant 5 : i32
    %dma_start3A_174 = arith.constant 4 : i32
    %dma_start3A_175 = arith.constant 0 : i32
    %dma_start3A_176 = tpu.memref_slice %arg9[%dma_start3A_173, %dma_start3A_174, %dma_start3A_175] : memref<8x8x768xf32, #tpu.memory_space<vmem>> -> memref<1x4x768xf32, #tpu.memory_space<vmem>>
    %dma_start3A_177 = tpu.memref_squeeze %dma_start3A_176 : memref<1x4x768xf32, #tpu.memory_space<vmem>> -> memref<4x768xf32, #tpu.memory_space<vmem>>
    %dma_start3A_178 = arith.constant 0 : i32
    %dma_start3A_179 = tpu.memref_slice %arg6[%add3A_172, %dma_start3A_178] : memref<512x768xf32, #tpu.memory_space<hbm>> -> memref<4x768xf32, #tpu.memory_space<hbm>>
    %dma_start3A_180 = arith.constant 0 : i32
    %dma_start3A_181 = tpu.memref_slice %arg6[%add3A_172, %dma_start3A_180] : memref<512x768xf32, #tpu.memory_space<hbm>> -> memref<4x768xf32, #tpu.memory_space<hbm>>
    %dma_start3A_182 = arith.constant 4 : i32
    %dma_start3A_183 = arith.constant 0 : i32
    %dma_start3A_184 = tpu.memref_slice %arg9[%dma_start3A_173, %dma_start3A_182, %dma_start3A_183] : memref<8x8x768xf32, #tpu.memory_space<vmem>> -> memref<1x4x768xf32, #tpu.memory_space<vmem>>
    %dma_start3A_185 = tpu.memref_squeeze %dma_start3A_184 : memref<1x4x768xf32, #tpu.memory_space<vmem>> -> memref<4x768xf32, #tpu.memory_space<vmem>>
    tpu.enqueue_dma source(%dma_start3A_185 : memref<4x768xf32, #tpu.memory_space<vmem>>) target(%dma_start3A_181 : memref<4x768xf32, #tpu.memory_space<hbm>>) target_semaphore(%arg11 : memref<!tpu.dma_semaphore, #tpu.memory_space<semaphore_mem>>)
    %add3A_186 = arith.constant 24 : i32
    %add3A_187 = arith.addi %multiple_of3A, %add3A_186 : i32
    %dma_start3A_188 = arith.constant 6 : i32
    %dma_start3A_189 = arith.constant 0 : i32
    %dma_start3A_190 = arith.constant 0 : i32
    %dma_start3A_191 = tpu.memref_slice %arg9[%dma_start3A_188, %dma_start3A_189, %dma_start3A_190] : memref<8x8x768xf32, #tpu.memory_space<vmem>> -> memref<1x4x768xf32, #tpu.memory_space<vmem>>
    %dma_start3A_192 = tpu.memref_squeeze %dma_start3A_191 : memref<1x4x768xf32, #tpu.memory_space<vmem>> -> memref<4x768xf32, #tpu.memory_space<vmem>>
    %dma_start3A_193 = arith.constant 0 : i32
    %dma_start3A_194 = tpu.memref_slice %arg5[%add3A_187, %dma_start3A_193] : memref<512x768xf32, #tpu.memory_space<hbm>> -> memref<4x768xf32, #tpu.memory_space<hbm>>
    %dma_start3A_195 = arith.constant 0 : i32
    %dma_start3A_196 = tpu.memref_slice %arg5[%add3A_187, %dma_start3A_195] : memref<512x768xf32, #tpu.memory_space<hbm>> -> memref<4x768xf32, #tpu.memory_space<hbm>>
    %dma_start3A_197 = arith.constant 0 : i32
    %dma_start3A_198 = arith.constant 0 : i32
    %dma_start3A_199 = tpu.memref_slice %arg9[%dma_start3A_188, %dma_start3A_197, %dma_start3A_198] : memref<8x8x768xf32, #tpu.memory_space<vmem>> -> memref<1x4x768xf32, #tpu.memory_space<vmem>>
    %dma_start3A_200 = tpu.memref_squeeze %dma_start3A_199 : memref<1x4x768xf32, #tpu.memory_space<vmem>> -> memref<4x768xf32, #tpu.memory_space<vmem>>
    tpu.enqueue_dma source(%dma_start3A_200 : memref<4x768xf32, #tpu.memory_space<vmem>>) target(%dma_start3A_196 : memref<4x768xf32, #tpu.memory_space<hbm>>) target_semaphore(%arg11 : memref<!tpu.dma_semaphore, #tpu.memory_space<semaphore_mem>>)
    %add3A_201 = arith.constant 24 : i32
    %add3A_202 = arith.addi %multiple_of3A, %add3A_201 : i32
    %dma_start3A_203 = arith.constant 6 : i32
    %dma_start3A_204 = arith.constant 4 : i32
    %dma_start3A_205 = arith.constant 0 : i32
    %dma_start3A_206 = tpu.memref_slice %arg9[%dma_start3A_203, %dma_start3A_204, %dma_start3A_205] : memref<8x8x768xf32, #tpu.memory_space<vmem>> -> memref<1x4x768xf32, #tpu.memory_space<vmem>>
    %dma_start3A_207 = tpu.memref_squeeze %dma_start3A_206 : memref<1x4x768xf32, #tpu.memory_space<vmem>> -> memref<4x768xf32, #tpu.memory_space<vmem>>
    %dma_start3A_208 = arith.constant 0 : i32
    %dma_start3A_209 = tpu.memref_slice %arg6[%add3A_202, %dma_start3A_208] : memref<512x768xf32, #tpu.memory_space<hbm>> -> memref<4x768xf32, #tpu.memory_space<hbm>>
    %dma_start3A_210 = arith.constant 0 : i32
    %dma_start3A_211 = tpu.memref_slice %arg6[%add3A_202, %dma_start3A_210] : memref<512x768xf32, #tpu.memory_space<hbm>> -> memref<4x768xf32, #tpu.memory_space<hbm>>
    %dma_start3A_212 = arith.constant 4 : i32
    %dma_start3A_213 = arith.constant 0 : i32
    %dma_start3A_214 = tpu.memref_slice %arg9[%dma_start3A_203, %dma_start3A_212, %dma_start3A_213] : memref<8x8x768xf32, #tpu.memory_space<vmem>> -> memref<1x4x768xf32, #tpu.memory_space<vmem>>
    %dma_start3A_215 = tpu.memref_squeeze %dma_start3A_214 : memref<1x4x768xf32, #tpu.memory_space<vmem>> -> memref<4x768xf32, #tpu.memory_space<vmem>>
    tpu.enqueue_dma source(%dma_start3A_215 : memref<4x768xf32, #tpu.memory_space<vmem>>) target(%dma_start3A_211 : memref<4x768xf32, #tpu.memory_space<hbm>>) target_semaphore(%arg11 : memref<!tpu.dma_semaphore, #tpu.memory_space<semaphore_mem>>)
    %add3A_216 = arith.constant 28 : i32
    %add3A_217 = arith.addi %multiple_of3A, %add3A_216 : i32
    %dma_start3A_218 = arith.constant 7 : i32
    %dma_start3A_219 = arith.constant 0 : i32
    %dma_start3A_220 = arith.constant 0 : i32
    %dma_start3A_221 = tpu.memref_slice %arg9[%dma_start3A_218, %dma_start3A_219, %dma_start3A_220] : memref<8x8x768xf32, #tpu.memory_space<vmem>> -> memref<1x4x768xf32, #tpu.memory_space<vmem>>
    %dma_start3A_222 = tpu.memref_squeeze %dma_start3A_221 : memref<1x4x768xf32, #tpu.memory_space<vmem>> -> memref<4x768xf32, #tpu.memory_space<vmem>>
    %dma_start3A_223 = arith.constant 0 : i32
    %dma_start3A_224 = tpu.memref_slice %arg5[%add3A_217, %dma_start3A_223] : memref<512x768xf32, #tpu.memory_space<hbm>> -> memref<4x768xf32, #tpu.memory_space<hbm>>
    %dma_start3A_225 = arith.constant 0 : i32
    %dma_start3A_226 = tpu.memref_slice %arg5[%add3A_217, %dma_start3A_225] : memref<512x768xf32, #tpu.memory_space<hbm>> -> memref<4x768xf32, #tpu.memory_space<hbm>>
    %dma_start3A_227 = arith.constant 0 : i32
    %dma_start3A_228 = arith.constant 0 : i32
    %dma_start3A_229 = tpu.memref_slice %arg9[%dma_start3A_218, %dma_start3A_227, %dma_start3A_228] : memref<8x8x768xf32, #tpu.memory_space<vmem>> -> memref<1x4x768xf32, #tpu.memory_space<vmem>>
    %dma_start3A_230 = tpu.memref_squeeze %dma_start3A_229 : memref<1x4x768xf32, #tpu.memory_space<vmem>> -> memref<4x768xf32, #tpu.memory_space<vmem>>
    tpu.enqueue_dma source(%dma_start3A_230 : memref<4x768xf32, #tpu.memory_space<vmem>>) target(%dma_start3A_226 : memref<4x768xf32, #tpu.memory_space<hbm>>) target_semaphore(%arg11 : memref<!tpu.dma_semaphore, #tpu.memory_space<semaphore_mem>>)
    %add3A_231 = arith.constant 28 : i32
    %add3A_232 = arith.addi %multiple_of3A, %add3A_231 : i32
    %dma_start3A_233 = arith.constant 7 : i32
    %dma_start3A_234 = arith.constant 4 : i32
    %dma_start3A_235 = arith.constant 0 : i32
    %dma_start3A_236 = tpu.memref_slice %arg9[%dma_start3A_233, %dma_start3A_234, %dma_start3A_235] : memref<8x8x768xf32, #tpu.memory_space<vmem>> -> memref<1x4x768xf32, #tpu.memory_space<vmem>>
    %dma_start3A_237 = tpu.memref_squeeze %dma_start3A_236 : memref<1x4x768xf32, #tpu.memory_space<vmem>> -> memref<4x768xf32, #tpu.memory_space<vmem>>
    %dma_start3A_238 = arith.constant 0 : i32
    %dma_start3A_239 = tpu.memref_slice %arg6[%add3A_232, %dma_start3A_238] : memref<512x768xf32, #tpu.memory_space<hbm>> -> memref<4x768xf32, #tpu.memory_space<hbm>>
    %dma_start3A_240 = arith.constant 0 : i32
    %dma_start3A_241 = tpu.memref_slice %arg6[%add3A_232, %dma_start3A_240] : memref<512x768xf32, #tpu.memory_space<hbm>> -> memref<4x768xf32, #tpu.memory_space<hbm>>
    %dma_start3A_242 = arith.constant 4 : i32
    %dma_start3A_243 = arith.constant 0 : i32
    %dma_start3A_244 = tpu.memref_slice %arg9[%dma_start3A_233, %dma_start3A_242, %dma_start3A_243] : memref<8x8x768xf32, #tpu.memory_space<vmem>> -> memref<1x4x768xf32, #tpu.memory_space<vmem>>
    %dma_start3A_245 = tpu.memref_squeeze %dma_start3A_244 : memref<1x4x768xf32, #tpu.memory_space<vmem>> -> memref<4x768xf32, #tpu.memory_space<vmem>>
    tpu.enqueue_dma source(%dma_start3A_245 : memref<4x768xf32, #tpu.memory_space<vmem>>) target(%dma_start3A_241 : memref<4x768xf32, #tpu.memory_space<hbm>>) target_semaphore(%arg11 : memref<!tpu.dma_semaphore, #tpu.memory_space<semaphore_mem>>)
    %dma_start3A_246 = arith.constant 0 : i32
    %dma_start3A_247 = arith.constant 0 : i32
    %dma_start3A_248 = tpu.memref_slice %arg4[%dma_start3A_246, %dma_start3A_247] : memref<4096x768xf32, #tpu.memory_space<hbm>> -> memref<4096x768xf32, #tpu.memory_space<hbm>>
    tpu.enqueue_indirect_dma source(%dma_start3A_248 : memref<4096x768xf32, #tpu.memory_space<hbm>>) target(%arg10 : memref<8x768xf32, #tpu.memory_space<vmem>>) offsets(%arg8 : memref<8xi32, #tpu.memory_space<vmem>>) semaphore(%arg11 : memref<!tpu.dma_semaphore, #tpu.memory_space<semaphore_mem>>)
    %dma_wait3A_249 = arith.constant 0 : i32
    %dma_wait3A_250 = arith.constant 0 : i32
    %dma_wait3A_251 = arith.constant 0 : i32
    %dma_wait3A_252 = tpu.memref_slice %arg9[%dma_wait3A_249, %dma_wait3A_250, %dma_wait3A_251] : memref<8x8x768xf32, #tpu.memory_space<vmem>> -> memref<1x4x768xf32, #tpu.memory_space<vmem>>
    %dma_wait3A_253 = tpu.memref_squeeze %dma_wait3A_252 : memref<1x4x768xf32, #tpu.memory_space<vmem>> -> memref<4x768xf32, #tpu.memory_space<vmem>>
    %dma_wait3A_254 = arith.constant 0 : i32
    %dma_wait3A_255 = tpu.memref_slice %arg5[%add3A_7, %dma_wait3A_254] : memref<512x768xf32, #tpu.memory_space<hbm>> -> memref<4x768xf32, #tpu.memory_space<hbm>>
    %dma_wait3A_256 = arith.constant 0 : i32
    %dma_wait3A_257 = tpu.memref_slice %arg5[%add3A_7, %dma_wait3A_256] : memref<512x768xf32, #tpu.memory_space<hbm>> -> memref<4x768xf32, #tpu.memory_space<hbm>>
    %dma_wait3A_258 = arith.constant 0 : i32
    %dma_wait3A_259 = arith.constant 0 : i32
    %dma_wait3A_260 = tpu.memref_slice %arg9[%dma_wait3A_249, %dma_wait3A_258, %dma_wait3A_259] : memref<8x8x768xf32, #tpu.memory_space<vmem>> -> memref<1x4x768xf32, #tpu.memory_space<vmem>>
    %dma_wait3A_261 = tpu.memref_squeeze %dma_wait3A_260 : memref<1x4x768xf32, #tpu.memory_space<vmem>> -> memref<4x768xf32, #tpu.memory_space<vmem>>
    tpu.wait_dma2 semaphore(%arg11 : memref<!tpu.dma_semaphore, #tpu.memory_space<semaphore_mem>>) src(%dma_wait3A_261 : memref<4x768xf32, #tpu.memory_space<vmem>>) dst(%dma_wait3A_257 : memref<4x768xf32, #tpu.memory_space<hbm>>)
    %dma_wait3A_262 = arith.constant 0 : i32
    %dma_wait3A_263 = arith.constant 4 : i32
    %dma_wait3A_264 = arith.constant 0 : i32
    %dma_wait3A_265 = tpu.memref_slice %arg9[%dma_wait3A_262, %dma_wait3A_263, %dma_wait3A_264] : memref<8x8x768xf32, #tpu.memory_space<vmem>> -> memref<1x4x768xf32, #tpu.memory_space<vmem>>
    %dma_wait3A_266 = tpu.memref_squeeze %dma_wait3A_265 : memref<1x4x768xf32, #tpu.memory_space<vmem>> -> memref<4x768xf32, #tpu.memory_space<vmem>>
    %dma_wait3A_267 = arith.constant 0 : i32
    %dma_wait3A_268 = tpu.memref_slice %arg6[%add3A_22, %dma_wait3A_267] : memref<512x768xf32, #tpu.memory_space<hbm>> -> memref<4x768xf32, #tpu.memory_space<hbm>>
    %dma_wait3A_269 = arith.constant 0 : i32
    %dma_wait3A_270 = tpu.memref_slice %arg6[%add3A_22, %dma_wait3A_269] : memref<512x768xf32, #tpu.memory_space<hbm>> -> memref<4x768xf32, #tpu.memory_space<hbm>>
    %dma_wait3A_271 = arith.constant 4 : i32
    %dma_wait3A_272 = arith.constant 0 : i32
    %dma_wait3A_273 = tpu.memref_slice %arg9[%dma_wait3A_262, %dma_wait3A_271, %dma_wait3A_272] : memref<8x8x768xf32, #tpu.memory_space<vmem>> -> memref<1x4x768xf32, #tpu.memory_space<vmem>>
    %dma_wait3A_274 = tpu.memref_squeeze %dma_wait3A_273 : memref<1x4x768xf32, #tpu.memory_space<vmem>> -> memref<4x768xf32, #tpu.memory_space<vmem>>
    tpu.wait_dma2 semaphore(%arg11 : memref<!tpu.dma_semaphore, #tpu.memory_space<semaphore_mem>>) src(%dma_wait3A_274 : memref<4x768xf32, #tpu.memory_space<vmem>>) dst(%dma_wait3A_270 : memref<4x768xf32, #tpu.memory_space<hbm>>)
    %dma_wait3A_275 = arith.constant 1 : i32
    %dma_wait3A_276 = arith.constant 0 : i32
    %dma_wait3A_277 = arith.constant 0 : i32
    %dma_wait3A_278 = tpu.memref_slice %arg9[%dma_wait3A_275, %dma_wait3A_276, %dma_wait3A_277] : memref<8x8x768xf32, #tpu.memory_space<vmem>> -> memref<1x4x768xf32, #tpu.memory_space<vmem>>
    %dma_wait3A_279 = tpu.memref_squeeze %dma_wait3A_278 : memref<1x4x768xf32, #tpu.memory_space<vmem>> -> memref<4x768xf32, #tpu.memory_space<vmem>>
    %dma_wait3A_280 = arith.constant 0 : i32
    %dma_wait3A_281 = tpu.memref_slice %arg5[%add3A_37, %dma_wait3A_280] : memref<512x768xf32, #tpu.memory_space<hbm>> -> memref<4x768xf32, #tpu.memory_space<hbm>>
    %dma_wait3A_282 = arith.constant 0 : i32
    %dma_wait3A_283 = tpu.memref_slice %arg5[%add3A_37, %dma_wait3A_282] : memref<512x768xf32, #tpu.memory_space<hbm>> -> memref<4x768xf32, #tpu.memory_space<hbm>>
    %dma_wait3A_284 = arith.constant 0 : i32
    %dma_wait3A_285 = arith.constant 0 : i32
    %dma_wait3A_286 = tpu.memref_slice %arg9[%dma_wait3A_275, %dma_wait3A_284, %dma_wait3A_285] : memref<8x8x768xf32, #tpu.memory_space<vmem>> -> memref<1x4x768xf32, #tpu.memory_space<vmem>>
    %dma_wait3A_287 = tpu.memref_squeeze %dma_wait3A_286 : memref<1x4x768xf32, #tpu.memory_space<vmem>> -> memref<4x768xf32, #tpu.memory_space<vmem>>
    tpu.wait_dma2 semaphore(%arg11 : memref<!tpu.dma_semaphore, #tpu.memory_space<semaphore_mem>>) src(%dma_wait3A_287 : memref<4x768xf32, #tpu.memory_space<vmem>>) dst(%dma_wait3A_283 : memref<4x768xf32, #tpu.memory_space<hbm>>)
    %dma_wait3A_288 = arith.constant 1 : i32
    %dma_wait3A_289 = arith.constant 4 : i32
    %dma_wait3A_290 = arith.constant 0 : i32
    %dma_wait3A_291 = tpu.memref_slice %arg9[%dma_wait3A_288, %dma_wait3A_289, %dma_wait3A_290] : memref<8x8x768xf32, #tpu.memory_space<vmem>> -> memref<1x4x768xf32, #tpu.memory_space<vmem>>
    %dma_wait3A_292 = tpu.memref_squeeze %dma_wait3A_291 : memref<1x4x768xf32, #tpu.memory_space<vmem>> -> memref<4x768xf32, #tpu.memory_space<vmem>>
    %dma_wait3A_293 = arith.constant 0 : i32
    %dma_wait3A_294 = tpu.memref_slice %arg6[%add3A_52, %dma_wait3A_293] : memref<512x768xf32, #tpu.memory_space<hbm>> -> memref<4x768xf32, #tpu.memory_space<hbm>>
    %dma_wait3A_295 = arith.constant 0 : i32
    %dma_wait3A_296 = tpu.memref_slice %arg6[%add3A_52, %dma_wait3A_295] : memref<512x768xf32, #tpu.memory_space<hbm>> -> memref<4x768xf32, #tpu.memory_space<hbm>>
    %dma_wait3A_297 = arith.constant 4 : i32
    %dma_wait3A_298 = arith.constant 0 : i32
    %dma_wait3A_299 = tpu.memref_slice %arg9[%dma_wait3A_288, %dma_wait3A_297, %dma_wait3A_298] : memref<8x8x768xf32, #tpu.memory_space<vmem>> -> memref<1x4x768xf32, #tpu.memory_space<vmem>>
    %dma_wait3A_300 = tpu.memref_squeeze %dma_wait3A_299 : memref<1x4x768xf32, #tpu.memory_space<vmem>> -> memref<4x768xf32, #tpu.memory_space<vmem>>
    tpu.wait_dma2 semaphore(%arg11 : memref<!tpu.dma_semaphore, #tpu.memory_space<semaphore_mem>>) src(%dma_wait3A_300 : memref<4x768xf32, #tpu.memory_space<vmem>>) dst(%dma_wait3A_296 : memref<4x768xf32, #tpu.memory_space<hbm>>)
    %dma_wait3A_301 = arith.constant 2 : i32
    %dma_wait3A_302 = arith.constant 0 : i32
    %dma_wait3A_303 = arith.constant 0 : i32
    %dma_wait3A_304 = tpu.memref_slice %arg9[%dma_wait3A_301, %dma_wait3A_302, %dma_wait3A_303] : memref<8x8x768xf32, #tpu.memory_space<vmem>> -> memref<1x4x768xf32, #tpu.memory_space<vmem>>
    %dma_wait3A_305 = tpu.memref_squeeze %dma_wait3A_304 : memref<1x4x768xf32, #tpu.memory_space<vmem>> -> memref<4x768xf32, #tpu.memory_space<vmem>>
    %dma_wait3A_306 = arith.constant 0 : i32
    %dma_wait3A_307 = tpu.memref_slice %arg5[%add3A_67, %dma_wait3A_306] : memref<512x768xf32, #tpu.memory_space<hbm>> -> memref<4x768xf32, #tpu.memory_space<hbm>>
    %dma_wait3A_308 = arith.constant 0 : i32
    %dma_wait3A_309 = tpu.memref_slice %arg5[%add3A_67, %dma_wait3A_308] : memref<512x768xf32, #tpu.memory_space<hbm>> -> memref<4x768xf32, #tpu.memory_space<hbm>>
    %dma_wait3A_310 = arith.constant 0 : i32
    %dma_wait3A_311 = arith.constant 0 : i32
    %dma_wait3A_312 = tpu.memref_slice %arg9[%dma_wait3A_301, %dma_wait3A_310, %dma_wait3A_311] : memref<8x8x768xf32, #tpu.memory_space<vmem>> -> memref<1x4x768xf32, #tpu.memory_space<vmem>>
    %dma_wait3A_313 = tpu.memref_squeeze %dma_wait3A_312 : memref<1x4x768xf32, #tpu.memory_space<vmem>> -> memref<4x768xf32, #tpu.memory_space<vmem>>
    tpu.wait_dma2 semaphore(%arg11 : memref<!tpu.dma_semaphore, #tpu.memory_space<semaphore_mem>>) src(%dma_wait3A_313 : memref<4x768xf32, #tpu.memory_space<vmem>>) dst(%dma_wait3A_309 : memref<4x768xf32, #tpu.memory_space<hbm>>)
    %dma_wait3A_314 = arith.constant 2 : i32
    %dma_wait3A_315 = arith.constant 4 : i32
    %dma_wait3A_316 = arith.constant 0 : i32
    %dma_wait3A_317 = tpu.memref_slice %arg9[%dma_wait3A_314, %dma_wait3A_315, %dma_wait3A_316] : memref<8x8x768xf32, #tpu.memory_space<vmem>> -> memref<1x4x768xf32, #tpu.memory_space<vmem>>
    %dma_wait3A_318 = tpu.memref_squeeze %dma_wait3A_317 : memref<1x4x768xf32, #tpu.memory_space<vmem>> -> memref<4x768xf32, #tpu.memory_space<vmem>>
    %dma_wait3A_319 = arith.constant 0 : i32
    %dma_wait3A_320 = tpu.memref_slice %arg6[%add3A_82, %dma_wait3A_319] : memref<512x768xf32, #tpu.memory_space<hbm>> -> memref<4x768xf32, #tpu.memory_space<hbm>>
    %dma_wait3A_321 = arith.constant 0 : i32
    %dma_wait3A_322 = tpu.memref_slice %arg6[%add3A_82, %dma_wait3A_321] : memref<512x768xf32, #tpu.memory_space<hbm>> -> memref<4x768xf32, #tpu.memory_space<hbm>>
    %dma_wait3A_323 = arith.constant 4 : i32
    %dma_wait3A_324 = arith.constant 0 : i32
    %dma_wait3A_325 = tpu.memref_slice %arg9[%dma_wait3A_314, %dma_wait3A_323, %dma_wait3A_324] : memref<8x8x768xf32, #tpu.memory_space<vmem>> -> memref<1x4x768xf32, #tpu.memory_space<vmem>>
    %dma_wait3A_326 = tpu.memref_squeeze %dma_wait3A_325 : memref<1x4x768xf32, #tpu.memory_space<vmem>> -> memref<4x768xf32, #tpu.memory_space<vmem>>
    tpu.wait_dma2 semaphore(%arg11 : memref<!tpu.dma_semaphore, #tpu.memory_space<semaphore_mem>>) src(%dma_wait3A_326 : memref<4x768xf32, #tpu.memory_space<vmem>>) dst(%dma_wait3A_322 : memref<4x768xf32, #tpu.memory_space<hbm>>)
    %dma_wait3A_327 = arith.constant 3 : i32
    %dma_wait3A_328 = arith.constant 0 : i32
    %dma_wait3A_329 = arith.constant 0 : i32
    %dma_wait3A_330 = tpu.memref_slice %arg9[%dma_wait3A_327, %dma_wait3A_328, %dma_wait3A_329] : memref<8x8x768xf32, #tpu.memory_space<vmem>> -> memref<1x4x768xf32, #tpu.memory_space<vmem>>
    %dma_wait3A_331 = tpu.memref_squeeze %dma_wait3A_330 : memref<1x4x768xf32, #tpu.memory_space<vmem>> -> memref<4x768xf32, #tpu.memory_space<vmem>>
    %dma_wait3A_332 = arith.constant 0 : i32
    %dma_wait3A_333 = tpu.memref_slice %arg5[%add3A_97, %dma_wait3A_332] : memref<512x768xf32, #tpu.memory_space<hbm>> -> memref<4x768xf32, #tpu.memory_space<hbm>>
    %dma_wait3A_334 = arith.constant 0 : i32
    %dma_wait3A_335 = tpu.memref_slice %arg5[%add3A_97, %dma_wait3A_334] : memref<512x768xf32, #tpu.memory_space<hbm>> -> memref<4x768xf32, #tpu.memory_space<hbm>>
    %dma_wait3A_336 = arith.constant 0 : i32
    %dma_wait3A_337 = arith.constant 0 : i32
    %dma_wait3A_338 = tpu.memref_slice %arg9[%dma_wait3A_327, %dma_wait3A_336, %dma_wait3A_337] : memref<8x8x768xf32, #tpu.memory_space<vmem>> -> memref<1x4x768xf32, #tpu.memory_space<vmem>>
    %dma_wait3A_339 = tpu.memref_squeeze %dma_wait3A_338 : memref<1x4x768xf32, #tpu.memory_space<vmem>> -> memref<4x768xf32, #tpu.memory_space<vmem>>
    tpu.wait_dma2 semaphore(%arg11 : memref<!tpu.dma_semaphore, #tpu.memory_space<semaphore_mem>>) src(%dma_wait3A_339 : memref<4x768xf32, #tpu.memory_space<vmem>>) dst(%dma_wait3A_335 : memref<4x768xf32, #tpu.memory_space<hbm>>)
    %dma_wait3A_340 = arith.constant 3 : i32
    %dma_wait3A_341 = arith.constant 4 : i32
    %dma_wait3A_342 = arith.constant 0 : i32
    %dma_wait3A_343 = tpu.memref_slice %arg9[%dma_wait3A_340, %dma_wait3A_341, %dma_wait3A_342] : memref<8x8x768xf32, #tpu.memory_space<vmem>> -> memref<1x4x768xf32, #tpu.memory_space<vmem>>
    %dma_wait3A_344 = tpu.memref_squeeze %dma_wait3A_343 : memref<1x4x768xf32, #tpu.memory_space<vmem>> -> memref<4x768xf32, #tpu.memory_space<vmem>>
    %dma_wait3A_345 = arith.constant 0 : i32
    %dma_wait3A_346 = tpu.memref_slice %arg6[%add3A_112, %dma_wait3A_345] : memref<512x768xf32, #tpu.memory_space<hbm>> -> memref<4x768xf32, #tpu.memory_space<hbm>>
    %dma_wait3A_347 = arith.constant 0 : i32
    %dma_wait3A_348 = tpu.memref_slice %arg6[%add3A_112, %dma_wait3A_347] : memref<512x768xf32, #tpu.memory_space<hbm>> -> memref<4x768xf32, #tpu.memory_space<hbm>>
    %dma_wait3A_349 = arith.constant 4 : i32
    %dma_wait3A_350 = arith.constant 0 : i32
    %dma_wait3A_351 = tpu.memref_slice %arg9[%dma_wait3A_340, %dma_wait3A_349, %dma_wait3A_350] : memref<8x8x768xf32, #tpu.memory_space<vmem>> -> memref<1x4x768xf32, #tpu.memory_space<vmem>>
    %dma_wait3A_352 = tpu.memref_squeeze %dma_wait3A_351 : memref<1x4x768xf32, #tpu.memory_space<vmem>> -> memref<4x768xf32, #tpu.memory_space<vmem>>
    tpu.wait_dma2 semaphore(%arg11 : memref<!tpu.dma_semaphore, #tpu.memory_space<semaphore_mem>>) src(%dma_wait3A_352 : memref<4x768xf32, #tpu.memory_space<vmem>>) dst(%dma_wait3A_348 : memref<4x768xf32, #tpu.memory_space<hbm>>)
    %dma_wait3A_353 = arith.constant 4 : i32
    %dma_wait3A_354 = arith.constant 0 : i32
    %dma_wait3A_355 = arith.constant 0 : i32
    %dma_wait3A_356 = tpu.memref_slice %arg9[%dma_wait3A_353, %dma_wait3A_354, %dma_wait3A_355] : memref<8x8x768xf32, #tpu.memory_space<vmem>> -> memref<1x4x768xf32, #tpu.memory_space<vmem>>
    %dma_wait3A_357 = tpu.memref_squeeze %dma_wait3A_356 : memref<1x4x768xf32, #tpu.memory_space<vmem>> -> memref<4x768xf32, #tpu.memory_space<vmem>>
    %dma_wait3A_358 = arith.constant 0 : i32
    %dma_wait3A_359 = tpu.memref_slice %arg5[%add3A_127, %dma_wait3A_358] : memref<512x768xf32, #tpu.memory_space<hbm>> -> memref<4x768xf32, #tpu.memory_space<hbm>>
    %dma_wait3A_360 = arith.constant 0 : i32
    %dma_wait3A_361 = tpu.memref_slice %arg5[%add3A_127, %dma_wait3A_360] : memref<512x768xf32, #tpu.memory_space<hbm>> -> memref<4x768xf32, #tpu.memory_space<hbm>>
    %dma_wait3A_362 = arith.constant 0 : i32
    %dma_wait3A_363 = arith.constant 0 : i32
    %dma_wait3A_364 = tpu.memref_slice %arg9[%dma_wait3A_353, %dma_wait3A_362, %dma_wait3A_363] : memref<8x8x768xf32, #tpu.memory_space<vmem>> -> memref<1x4x768xf32, #tpu.memory_space<vmem>>
    %dma_wait3A_365 = tpu.memref_squeeze %dma_wait3A_364 : memref<1x4x768xf32, #tpu.memory_space<vmem>> -> memref<4x768xf32, #tpu.memory_space<vmem>>
    tpu.wait_dma2 semaphore(%arg11 : memref<!tpu.dma_semaphore, #tpu.memory_space<semaphore_mem>>) src(%dma_wait3A_365 : memref<4x768xf32, #tpu.memory_space<vmem>>) dst(%dma_wait3A_361 : memref<4x768xf32, #tpu.memory_space<hbm>>)
    %dma_wait3A_366 = arith.constant 4 : i32
    %dma_wait3A_367 = arith.constant 4 : i32
    %dma_wait3A_368 = arith.constant 0 : i32
    %dma_wait3A_369 = tpu.memref_slice %arg9[%dma_wait3A_366, %dma_wait3A_367, %dma_wait3A_368] : memref<8x8x768xf32, #tpu.memory_space<vmem>> -> memref<1x4x768xf32, #tpu.memory_space<vmem>>
    %dma_wait3A_370 = tpu.memref_squeeze %dma_wait3A_369 : memref<1x4x768xf32, #tpu.memory_space<vmem>> -> memref<4x768xf32, #tpu.memory_space<vmem>>
    %dma_wait3A_371 = arith.constant 0 : i32
    %dma_wait3A_372 = tpu.memref_slice %arg6[%add3A_142, %dma_wait3A_371] : memref<512x768xf32, #tpu.memory_space<hbm>> -> memref<4x768xf32, #tpu.memory_space<hbm>>
    %dma_wait3A_373 = arith.constant 0 : i32
    %dma_wait3A_374 = tpu.memref_slice %arg6[%add3A_142, %dma_wait3A_373] : memref<512x768xf32, #tpu.memory_space<hbm>> -> memref<4x768xf32, #tpu.memory_space<hbm>>
    %dma_wait3A_375 = arith.constant 4 : i32
    %dma_wait3A_376 = arith.constant 0 : i32
    %dma_wait3A_377 = tpu.memref_slice %arg9[%dma_wait3A_366, %dma_wait3A_375, %dma_wait3A_376] : memref<8x8x768xf32, #tpu.memory_space<vmem>> -> memref<1x4x768xf32, #tpu.memory_space<vmem>>
    %dma_wait3A_378 = tpu.memref_squeeze %dma_wait3A_377 : memref<1x4x768xf32, #tpu.memory_space<vmem>> -> memref<4x768xf32, #tpu.memory_space<vmem>>
    tpu.wait_dma2 semaphore(%arg11 : memref<!tpu.dma_semaphore, #tpu.memory_space<semaphore_mem>>) src(%dma_wait3A_378 : memref<4x768xf32, #tpu.memory_space<vmem>>) dst(%dma_wait3A_374 : memref<4x768xf32, #tpu.memory_space<hbm>>)
    %dma_wait3A_379 = arith.constant 5 : i32
    %dma_wait3A_380 = arith.constant 0 : i32
    %dma_wait3A_381 = arith.constant 0 : i32
    %dma_wait3A_382 = tpu.memref_slice %arg9[%dma_wait3A_379, %dma_wait3A_380, %dma_wait3A_381] : memref<8x8x768xf32, #tpu.memory_space<vmem>> -> memref<1x4x768xf32, #tpu.memory_space<vmem>>
    %dma_wait3A_383 = tpu.memref_squeeze %dma_wait3A_382 : memref<1x4x768xf32, #tpu.memory_space<vmem>> -> memref<4x768xf32, #tpu.memory_space<vmem>>
    %dma_wait3A_384 = arith.constant 0 : i32
    %dma_wait3A_385 = tpu.memref_slice %arg5[%add3A_157, %dma_wait3A_384] : memref<512x768xf32, #tpu.memory_space<hbm>> -> memref<4x768xf32, #tpu.memory_space<hbm>>
    %dma_wait3A_386 = arith.constant 0 : i32
    %dma_wait3A_387 = tpu.memref_slice %arg5[%add3A_157, %dma_wait3A_386] : memref<512x768xf32, #tpu.memory_space<hbm>> -> memref<4x768xf32, #tpu.memory_space<hbm>>
    %dma_wait3A_388 = arith.constant 0 : i32
    %dma_wait3A_389 = arith.constant 0 : i32
    %dma_wait3A_390 = tpu.memref_slice %arg9[%dma_wait3A_379, %dma_wait3A_388, %dma_wait3A_389] : memref<8x8x768xf32, #tpu.memory_space<vmem>> -> memref<1x4x768xf32, #tpu.memory_space<vmem>>
    %dma_wait3A_391 = tpu.memref_squeeze %dma_wait3A_390 : memref<1x4x768xf32, #tpu.memory_space<vmem>> -> memref<4x768xf32, #tpu.memory_space<vmem>>
    tpu.wait_dma2 semaphore(%arg11 : memref<!tpu.dma_semaphore, #tpu.memory_space<semaphore_mem>>) src(%dma_wait3A_391 : memref<4x768xf32, #tpu.memory_space<vmem>>) dst(%dma_wait3A_387 : memref<4x768xf32, #tpu.memory_space<hbm>>)
    %dma_wait3A_392 = arith.constant 5 : i32
    %dma_wait3A_393 = arith.constant 4 : i32
    %dma_wait3A_394 = arith.constant 0 : i32
    %dma_wait3A_395 = tpu.memref_slice %arg9[%dma_wait3A_392, %dma_wait3A_393, %dma_wait3A_394] : memref<8x8x768xf32, #tpu.memory_space<vmem>> -> memref<1x4x768xf32, #tpu.memory_space<vmem>>
    %dma_wait3A_396 = tpu.memref_squeeze %dma_wait3A_395 : memref<1x4x768xf32, #tpu.memory_space<vmem>> -> memref<4x768xf32, #tpu.memory_space<vmem>>
    %dma_wait3A_397 = arith.constant 0 : i32
    %dma_wait3A_398 = tpu.memref_slice %arg6[%add3A_172, %dma_wait3A_397] : memref<512x768xf32, #tpu.memory_space<hbm>> -> memref<4x768xf32, #tpu.memory_space<hbm>>
    %dma_wait3A_399 = arith.constant 0 : i32
    %dma_wait3A_400 = tpu.memref_slice %arg6[%add3A_172, %dma_wait3A_399] : memref<512x768xf32, #tpu.memory_space<hbm>> -> memref<4x768xf32, #tpu.memory_space<hbm>>
    %dma_wait3A_401 = arith.constant 4 : i32
    %dma_wait3A_402 = arith.constant 0 : i32
    %dma_wait3A_403 = tpu.memref_slice %arg9[%dma_wait3A_392, %dma_wait3A_401, %dma_wait3A_402] : memref<8x8x768xf32, #tpu.memory_space<vmem>> -> memref<1x4x768xf32, #tpu.memory_space<vmem>>
    %dma_wait3A_404 = tpu.memref_squeeze %dma_wait3A_403 : memref<1x4x768xf32, #tpu.memory_space<vmem>> -> memref<4x768xf32, #tpu.memory_space<vmem>>
    tpu.wait_dma2 semaphore(%arg11 : memref<!tpu.dma_semaphore, #tpu.memory_space<semaphore_mem>>) src(%dma_wait3A_404 : memref<4x768xf32, #tpu.memory_space<vmem>>) dst(%dma_wait3A_400 : memref<4x768xf32, #tpu.memory_space<hbm>>)
    %dma_wait3A_405 = arith.constant 6 : i32
    %dma_wait3A_406 = arith.constant 0 : i32
    %dma_wait3A_407 = arith.constant 0 : i32
    %dma_wait3A_408 = tpu.memref_slice %arg9[%dma_wait3A_405, %dma_wait3A_406, %dma_wait3A_407] : memref<8x8x768xf32, #tpu.memory_space<vmem>> -> memref<1x4x768xf32, #tpu.memory_space<vmem>>
    %dma_wait3A_409 = tpu.memref_squeeze %dma_wait3A_408 : memref<1x4x768xf32, #tpu.memory_space<vmem>> -> memref<4x768xf32, #tpu.memory_space<vmem>>
    %dma_wait3A_410 = arith.constant 0 : i32
    %dma_wait3A_411 = tpu.memref_slice %arg5[%add3A_187, %dma_wait3A_410] : memref<512x768xf32, #tpu.memory_space<hbm>> -> memref<4x768xf32, #tpu.memory_space<hbm>>
    %dma_wait3A_412 = arith.constant 0 : i32
    %dma_wait3A_413 = tpu.memref_slice %arg5[%add3A_187, %dma_wait3A_412] : memref<512x768xf32, #tpu.memory_space<hbm>> -> memref<4x768xf32, #tpu.memory_space<hbm>>
    %dma_wait3A_414 = arith.constant 0 : i32
    %dma_wait3A_415 = arith.constant 0 : i32
    %dma_wait3A_416 = tpu.memref_slice %arg9[%dma_wait3A_405, %dma_wait3A_414, %dma_wait3A_415] : memref<8x8x768xf32, #tpu.memory_space<vmem>> -> memref<1x4x768xf32, #tpu.memory_space<vmem>>
    %dma_wait3A_417 = tpu.memref_squeeze %dma_wait3A_416 : memref<1x4x768xf32, #tpu.memory_space<vmem>> -> memref<4x768xf32, #tpu.memory_space<vmem>>
    tpu.wait_dma2 semaphore(%arg11 : memref<!tpu.dma_semaphore, #tpu.memory_space<semaphore_mem>>) src(%dma_wait3A_417 : memref<4x768xf32, #tpu.memory_space<vmem>>) dst(%dma_wait3A_413 : memref<4x768xf32, #tpu.memory_space<hbm>>)
    %dma_wait3A_418 = arith.constant 6 : i32
    %dma_wait3A_419 = arith.constant 4 : i32
    %dma_wait3A_420 = arith.constant 0 : i32
    %dma_wait3A_421 = tpu.memref_slice %arg9[%dma_wait3A_418, %dma_wait3A_419, %dma_wait3A_420] : memref<8x8x768xf32, #tpu.memory_space<vmem>> -> memref<1x4x768xf32, #tpu.memory_space<vmem>>
    %dma_wait3A_422 = tpu.memref_squeeze %dma_wait3A_421 : memref<1x4x768xf32, #tpu.memory_space<vmem>> -> memref<4x768xf32, #tpu.memory_space<vmem>>
    %dma_wait3A_423 = arith.constant 0 : i32
    %dma_wait3A_424 = tpu.memref_slice %arg6[%add3A_202, %dma_wait3A_423] : memref<512x768xf32, #tpu.memory_space<hbm>> -> memref<4x768xf32, #tpu.memory_space<hbm>>
    %dma_wait3A_425 = arith.constant 0 : i32
    %dma_wait3A_426 = tpu.memref_slice %arg6[%add3A_202, %dma_wait3A_425] : memref<512x768xf32, #tpu.memory_space<hbm>> -> memref<4x768xf32, #tpu.memory_space<hbm>>
    %dma_wait3A_427 = arith.constant 4 : i32
    %dma_wait3A_428 = arith.constant 0 : i32
    %dma_wait3A_429 = tpu.memref_slice %arg9[%dma_wait3A_418, %dma_wait3A_427, %dma_wait3A_428] : memref<8x8x768xf32, #tpu.memory_space<vmem>> -> memref<1x4x768xf32, #tpu.memory_space<vmem>>
    %dma_wait3A_430 = tpu.memref_squeeze %dma_wait3A_429 : memref<1x4x768xf32, #tpu.memory_space<vmem>> -> memref<4x768xf32, #tpu.memory_space<vmem>>
    tpu.wait_dma2 semaphore(%arg11 : memref<!tpu.dma_semaphore, #tpu.memory_space<semaphore_mem>>) src(%dma_wait3A_430 : memref<4x768xf32, #tpu.memory_space<vmem>>) dst(%dma_wait3A_426 : memref<4x768xf32, #tpu.memory_space<hbm>>)
    %dma_wait3A_431 = arith.constant 7 : i32
    %dma_wait3A_432 = arith.constant 0 : i32
    %dma_wait3A_433 = arith.constant 0 : i32
    %dma_wait3A_434 = tpu.memref_slice %arg9[%dma_wait3A_431, %dma_wait3A_432, %dma_wait3A_433] : memref<8x8x768xf32, #tpu.memory_space<vmem>> -> memref<1x4x768xf32, #tpu.memory_space<vmem>>
    %dma_wait3A_435 = tpu.memref_squeeze %dma_wait3A_434 : memref<1x4x768xf32, #tpu.memory_space<vmem>> -> memref<4x768xf32, #tpu.memory_space<vmem>>
    %dma_wait3A_436 = arith.constant 0 : i32
    %dma_wait3A_437 = tpu.memref_slice %arg5[%add3A_217, %dma_wait3A_436] : memref<512x768xf32, #tpu.memory_space<hbm>> -> memref<4x768xf32, #tpu.memory_space<hbm>>
    %dma_wait3A_438 = arith.constant 0 : i32
    %dma_wait3A_439 = tpu.memref_slice %arg5[%add3A_217, %dma_wait3A_438] : memref<512x768xf32, #tpu.memory_space<hbm>> -> memref<4x768xf32, #tpu.memory_space<hbm>>
    %dma_wait3A_440 = arith.constant 0 : i32
    %dma_wait3A_441 = arith.constant 0 : i32
    %dma_wait3A_442 = tpu.memref_slice %arg9[%dma_wait3A_431, %dma_wait3A_440, %dma_wait3A_441] : memref<8x8x768xf32, #tpu.memory_space<vmem>> -> memref<1x4x768xf32, #tpu.memory_space<vmem>>
    %dma_wait3A_443 = tpu.memref_squeeze %dma_wait3A_442 : memref<1x4x768xf32, #tpu.memory_space<vmem>> -> memref<4x768xf32, #tpu.memory_space<vmem>>
    tpu.wait_dma2 semaphore(%arg11 : memref<!tpu.dma_semaphore, #tpu.memory_space<semaphore_mem>>) src(%dma_wait3A_443 : memref<4x768xf32, #tpu.memory_space<vmem>>) dst(%dma_wait3A_439 : memref<4x768xf32, #tpu.memory_space<hbm>>)
    %dma_wait3A_444 = arith.constant 7 : i32
    %dma_wait3A_445 = arith.constant 4 : i32
    %dma_wait3A_446 = arith.constant 0 : i32
    %dma_wait3A_447 = tpu.memref_slice %arg9[%dma_wait3A_444, %dma_wait3A_445, %dma_wait3A_446] : memref<8x8x768xf32, #tpu.memory_space<vmem>> -> memref<1x4x768xf32, #tpu.memory_space<vmem>>
    %dma_wait3A_448 = tpu.memref_squeeze %dma_wait3A_447 : memref<1x4x768xf32, #tpu.memory_space<vmem>> -> memref<4x768xf32, #tpu.memory_space<vmem>>
    %dma_wait3A_449 = arith.constant 0 : i32
    %dma_wait3A_450 = tpu.memref_slice %arg6[%add3A_232, %dma_wait3A_449] : memref<512x768xf32, #tpu.memory_space<hbm>> -> memref<4x768xf32, #tpu.memory_space<hbm>>
    %dma_wait3A_451 = arith.constant 0 : i32
    %dma_wait3A_452 = tpu.memref_slice %arg6[%add3A_232, %dma_wait3A_451] : memref<512x768xf32, #tpu.memory_space<hbm>> -> memref<4x768xf32, #tpu.memory_space<hbm>>
    %dma_wait3A_453 = arith.constant 4 : i32
    %dma_wait3A_454 = arith.constant 0 : i32
    %dma_wait3A_455 = tpu.memref_slice %arg9[%dma_wait3A_444, %dma_wait3A_453, %dma_wait3A_454] : memref<8x8x768xf32, #tpu.memory_space<vmem>> -> memref<1x4x768xf32, #tpu.memory_space<vmem>>
    %dma_wait3A_456 = tpu.memref_squeeze %dma_wait3A_455 : memref<1x4x768xf32, #tpu.memory_space<vmem>> -> memref<4x768xf32, #tpu.memory_space<vmem>>
    tpu.wait_dma2 semaphore(%arg11 : memref<!tpu.dma_semaphore, #tpu.memory_space<semaphore_mem>>) src(%dma_wait3A_456 : memref<4x768xf32, #tpu.memory_space<vmem>>) dst(%dma_wait3A_452 : memref<4x768xf32, #tpu.memory_space<hbm>>)
    %dma_wait3A_457 = arith.constant 0 : i32
    %dma_wait3A_458 = arith.constant 0 : i32
    %dma_wait3A_459 = tpu.memref_slice %arg4[%dma_wait3A_457, %dma_wait3A_458] : memref<4096x768xf32, #tpu.memory_space<hbm>> -> memref<4096x768xf32, #tpu.memory_space<hbm>>
    tpu.wait_indirect_dma semaphore(%arg11 : memref<!tpu.dma_semaphore, #tpu.memory_space<semaphore_mem>>) src(%dma_wait3A_459 : memref<4096x768xf32, #tpu.memory_space<hbm>>) dst(%arg10 : memref<8x768xf32, #tpu.memory_space<vmem>>)
    %mul3A_460 = arith.constant 8 : i32
    %mul3A_461 = arith.muli %mul3A_460, %arg1 : i32
    %multiple_of3A_462 = tpu.assume_multiple %mul3A_461, 8 : i32
    "tpu.region"() ({
      %run_scoped3A = tpu.sem_alloc : memref<!tpu.dma_semaphore, #tpu.memory_space<semaphore_mem>>
      %dma_start3A_463 = arith.constant 0 : i32
      %dma_start3A_464 = tpu.memref_slice %arg7[%multiple_of3A_462, %dma_start3A_463] : memref<128x768xf32, #tpu.memory_space<hbm>> -> memref<8x768xf32, #tpu.memory_space<hbm>>
      %dma_start3A_465 = arith.constant 0 : i32
      %dma_start3A_466 = tpu.memref_slice %arg7[%multiple_of3A_462, %dma_start3A_465] : memref<128x768xf32, #tpu.memory_space<hbm>> -> memref<8x768xf32, #tpu.memory_space<hbm>>
      tpu.enqueue_dma source(%arg10 : memref<8x768xf32, #tpu.memory_space<vmem>>) target(%dma_start3A_466 : memref<8x768xf32, #tpu.memory_space<hbm>>) target_semaphore(%run_scoped3A : memref<!tpu.dma_semaphore, #tpu.memory_space<semaphore_mem>>)
      %dma_wait3A_467 = arith.constant 0 : i32
      %dma_wait3A_468 = tpu.memref_slice %arg7[%multiple_of3A_462, %dma_wait3A_467] : memref<128x768xf32, #tpu.memory_space<hbm>> -> memref<8x768xf32, #tpu.memory_space<hbm>>
      %dma_wait3A_469 = arith.constant 0 : i32
      %dma_wait3A_470 = tpu.memref_slice %arg7[%multiple_of3A_462, %dma_wait3A_469] : memref<128x768xf32, #tpu.memory_space<hbm>> -> memref<8x768xf32, #tpu.memory_space<hbm>>
      tpu.wait_dma2 semaphore(%run_scoped3A : memref<!tpu.dma_semaphore, #tpu.memory_space<semaphore_mem>>) src(%arg10 : memref<8x768xf32, #tpu.memory_space<vmem>>) dst(%dma_wait3A_470 : memref<8x768xf32, #tpu.memory_space<hbm>>)
      tpu.yield
    }) : () -> ()
    return
  }
}

module attributes {stable_mosaic.version = 14 : i64} {
  func.func @_pk_sim_body(%arg0: i32, %arg1: memref<16x768xf32, #tpu.memory_space<vmem>>, %arg2: memref<2048x768xf32, #tpu.memory_space<vmem>>, %arg3: memref<128x768xf32, #tpu.memory_space<vmem>>, %arg4: memref<2048x768xf32, #tpu.memory_space<vmem>>, %arg5: memref<16x2048xf32, #tpu.memory_space<vmem>>, %arg6: memref<128x768xf32, #tpu.memory_space<vmem>>, %arg7: memref<1x1xf32, #tpu.memory_space<smem>>) attributes {dimension_semantics = [#tpu.dimension_semantics<arbitrary>], iteration_bounds = array<i64: 2>, scalar_prefetch = 0 : i64, scratch_operands = 0 : i64, tpu.core_type = #tpu.core_type<tc>, window_params = [{pipeline_mode = #tpu.pipeline_mode<synchronous>, transform_indices = @transform_0, window_bounds = array<i64: 16, 768>}, {transform_indices = @transform_1, window_bounds = array<i64: 2048, 768>}, {pipeline_mode = #tpu.pipeline_mode<synchronous>, transform_indices = @transform_2, window_bounds = array<i64: 128, 768>}, {transform_indices = @transform_3, window_bounds = array<i64: 2048, 768>}, {transform_indices = @transform_4, window_bounds = array<i64: 16, 2048>}, {pipeline_mode = #tpu.pipeline_mode<synchronous>, transform_indices = @transform_5, window_bounds = array<i64: 128, 768>}, {transform_indices = @transform_6, window_bounds = array<i64: 1, 1>}]} {
    %get3A = arith.constant 0 : index
    %get3A_0 = arith.constant 0 : index
    %get3A_1 = vector.load %arg2[%get3A, %get3A_0] : memref<2048x768xf32, #tpu.memory_space<vmem>>, vector<2048x768xf32>
    %mul3A = arith.mulf %get3A_1, %get3A_1 : vector<2048x768xf32>
    %reduce_sum3A = arith.constant dense<0.000000e+00> : vector<2048xf32>
    %reduce_sum3A_2 = vector.multi_reduction <add>, %mul3A, %reduce_sum3A [1] : vector<2048x768xf32> to vector<2048xf32>
    %broadcast_in_dim3A = vector.shape_cast %reduce_sum3A_2 : vector<2048xf32> to vector<2048x1xf32>
    %max3A = arith.constant 9.99999996E-13 : f32
    %max3A_3 = vector.broadcast %max3A : f32 to vector<2048x1xf32>
    %max3A_4 = arith.maximumf %broadcast_in_dim3A, %max3A_3 : vector<2048x1xf32>
    %rsqrt3A = math.rsqrt %max3A_4 : vector<2048x1xf32>
    %mul3A_5 = vector.broadcast %rsqrt3A : vector<2048x1xf32> to vector<2048x768xf32>
    %mul3A_6 = arith.mulf %get3A_1, %mul3A_5 : vector<2048x768xf32>
    %swap3A = arith.constant 0 : index
    %swap3A_7 = arith.constant 0 : index
    %swap3A_8 = vector.load %arg4[%swap3A, %swap3A_7] : memref<2048x768xf32, #tpu.memory_space<vmem>>, vector<2048x768xf32>
    tpu.vector_store %arg4[%swap3A, %swap3A_7], %mul3A_6 {strides = array<i32>} : memref<2048x768xf32, #tpu.memory_space<vmem>>, vector<2048x768xf32>,
    %get3A_9 = arith.constant 0 : index
    %get3A_10 = arith.constant 0 : index
    %get3A_11 = vector.load %arg1[%get3A_9, %get3A_10] : memref<16x768xf32, #tpu.memory_space<vmem>>, vector<16x768xf32>
    %dot_general3A = arith.constant dense<0.000000e+00> : vector<16x2048xf32>
    %dot_general3A_12 = tpu.matmul %get3A_11, %mul3A_6, %dot_general3A {dimension_numbers = #tpu.dot_dimension_numbers<[1], [1], [0], [0], [0, 0, 1, 0], [], []>, transpose_lhs_hint = false} : vector<16x768xf32>, vector<2048x768xf32>, vector<16x2048xf32> -> vector<16x2048xf32>
    %swap3A_13 = arith.constant 0 : index
    %swap3A_14 = arith.constant 0 : index
    %swap3A_15 = vector.load %arg5[%swap3A_13, %swap3A_14] : memref<16x2048xf32, #tpu.memory_space<vmem>>, vector<16x2048xf32>
    tpu.vector_store %arg5[%swap3A_13, %swap3A_14], %dot_general3A_12 {strides = array<i32>} : memref<16x2048xf32, #tpu.memory_space<vmem>>, vector<16x2048xf32>,
    %eq3A = arith.constant 1 : i32
    %eq3A_16 = arith.cmpi eq, %arg0, %eq3A : i32
    %convert_element_type3A = arith.extui %eq3A_16 : i1 to i32
    %cond3A = arith.constant 0 : i32
    %cond3A_17 = arith.cmpi ne, %convert_element_type3A, %cond3A : i32
    scf.if %cond3A_17 {
      %get3A_18 = arith.constant 0 : index
      %get3A_19 = arith.constant 0 : index
      %get3A_20 = vector.load %arg3[%get3A_18, %get3A_19] : memref<128x768xf32, #tpu.memory_space<vmem>>, vector<128x768xf32>
      %mul3A_21 = arith.mulf %get3A_20, %get3A_20 : vector<128x768xf32>
      %reduce_sum3A_22 = arith.constant dense<0.000000e+00> : vector<128xf32>
      %reduce_sum3A_23 = vector.multi_reduction <add>, %mul3A_21, %reduce_sum3A_22 [1] : vector<128x768xf32> to vector<128xf32>
      %broadcast_in_dim3A_24 = vector.shape_cast %reduce_sum3A_23 : vector<128xf32> to vector<128x1xf32>
      %max3A_25 = arith.constant 9.99999996E-13 : f32
      %max3A_26 = vector.broadcast %max3A_25 : f32 to vector<128x1xf32>
      %max3A_27 = arith.maximumf %broadcast_in_dim3A_24, %max3A_26 : vector<128x1xf32>
      %rsqrt3A_28 = math.rsqrt %max3A_27 : vector<128x1xf32>
      %mul3A_29 = vector.broadcast %rsqrt3A_28 : vector<128x1xf32> to vector<128x768xf32>
      %mul3A_30 = arith.mulf %get3A_20, %mul3A_29 : vector<128x768xf32>
      %swap3A_31 = arith.constant 0 : index
      %swap3A_32 = arith.constant 0 : index
      %swap3A_33 = vector.load %arg6[%swap3A_31, %swap3A_32] : memref<128x768xf32, #tpu.memory_space<vmem>>, vector<128x768xf32>
      tpu.vector_store %arg6[%swap3A_31, %swap3A_32], %mul3A_30 {strides = array<i32>} : memref<128x768xf32, #tpu.memory_space<vmem>>, vector<128x768xf32>,
      %broadcast_in_dim3A_34 = vector.shape_cast %get3A_11 : vector<16x768xf32> to vector<16x1x768xf32>
      %broadcast_in_dim3A_35 = vector.shape_cast %broadcast_in_dim3A_34 : vector<16x1x768xf32> to vector<16x1x768xf32>
      %broadcast_in_dim3A_36 = vector.broadcast %broadcast_in_dim3A_35 : vector<16x1x768xf32> to vector<16x8x768xf32>
      %reshape3A = vector.shape_cast %broadcast_in_dim3A_36 : vector<16x8x768xf32> to vector<128x768xf32>
      %mul3A_37 = arith.mulf %mul3A_30, %reshape3A : vector<128x768xf32>
      %reduce_sum3A_38 = vector.shape_cast %mul3A_37 : vector<128x768xf32> to vector<1x128x768xf32>
      %reduce_sum3A_39 = arith.constant dense<0.000000e+00> : vector<1xf32>
      %reduce_sum3A_40 = vector.multi_reduction <add>, %reduce_sum3A_38, %reduce_sum3A_39 [1, 2] : vector<1x128x768xf32> to vector<1xf32>
      %reduce_sum3A_41 = vector.shape_cast %reduce_sum3A_40 : vector<1xf32> to vector<1x1x1xf32>
      %reduce_sum3A_42 = vector.extract %reduce_sum3A_41[0, 0, 0] : f32 from vector<1x1x1xf32>
      %mul3A_43 = arith.constant 7.812500e-03 : f32
      %mul3A_44 = arith.mulf %reduce_sum3A_42, %mul3A_43 : f32
      %swap3A_45 = arith.constant 0 : index
      %swap3A_46 = arith.constant 0 : index
      %swap3A_47 = memref.load %arg7[%swap3A_45, %swap3A_46] : memref<1x1xf32, #tpu.memory_space<smem>>
      memref.store %mul3A_44, %arg7[%swap3A_45, %swap3A_46] : memref<1x1xf32, #tpu.memory_space<smem>>
    } else {
    }
    return
  }
  func.func @transform_0(%arg0: i32) -> (i32, i32) {
    %c0_i32 = arith.constant 0 : i32
    %c0_i32_0 = arith.constant 0 : i32
    %c0_i32_1 = arith.constant 0 : i32
    return %c0_i32, %c0_i32_0 : i32, i32
  }
  func.func @transform_1(%arg0: i32) -> (i32, i32) {
    %c0_i32 = arith.constant 0 : i32
    %c0_i32_0 = arith.constant 0 : i32
    return %arg0, %c0_i32 : i32, i32
  }
  func.func @transform_2(%arg0: i32) -> (i32, i32) {
    %c0_i32 = arith.constant 0 : i32
    %c0_i32_0 = arith.constant 0 : i32
    %c0_i32_1 = arith.constant 0 : i32
    return %c0_i32, %c0_i32_0 : i32, i32
  }
  func.func @transform_3(%arg0: i32) -> (i32, i32) {
    %c0_i32 = arith.constant 0 : i32
    %c0_i32_0 = arith.constant 0 : i32
    return %arg0, %c0_i32 : i32, i32
  }
  func.func @transform_4(%arg0: i32) -> (i32, i32) {
    %c0_i32 = arith.constant 0 : i32
    %c0_i32_0 = arith.constant 0 : i32
    return %c0_i32, %arg0 : i32, i32
  }
  func.func @transform_5(%arg0: i32) -> (i32, i32) {
    %c0_i32 = arith.constant 0 : i32
    %c0_i32_0 = arith.constant 0 : i32
    %c0_i32_1 = arith.constant 0 : i32
    return %c0_i32, %c0_i32_0 : i32, i32
  }
  func.func @transform_6(%arg0: i32) -> (i32, i32) {
    %c0_i32 = arith.constant 0 : i32
    %c0_i32_0 = arith.constant 0 : i32
    %c0_i32_1 = arith.constant 0 : i32
    return %c0_i32, %c0_i32_0 : i32, i32
  }
}

module attributes {stable_mosaic.version = 14 : i64} {
  func.func @_mean_norm_body(%arg0: i32, %arg1: memref<128x16x768xf32, #tpu.memory_space<vmem>>, %arg2: memref<16x768xf32, #tpu.memory_space<vmem>>) attributes {dimension_semantics = [#tpu.dimension_semantics<arbitrary>], iteration_bounds = array<i64: 16>, scalar_prefetch = 0 : i64, scratch_operands = 0 : i64, tpu.core_type = #tpu.core_type<tc>, window_params = [{transform_indices = @transform_0, window_bounds = array<i64: 128, 16, 768>}, {pipeline_mode = #tpu.pipeline_mode<synchronous>, transform_indices = @transform_1, window_bounds = array<i64: 16, 768>}]} {
    %get3A = arith.constant 0 : index
    %get3A_0 = arith.constant 0 : index
    %get3A_1 = arith.constant 0 : index
    %get3A_2 = vector.load %arg1[%get3A, %get3A_0, %get3A_1] : memref<128x16x768xf32, #tpu.memory_space<vmem>>, vector<128x16x768xf32>
    %reduce_sum3A = arith.constant dense<0.000000e+00> : vector<16x768xf32>
    %reduce_sum3A_3 = vector.multi_reduction <add>, %get3A_2, %reduce_sum3A [0] : vector<128x16x768xf32> to vector<16x768xf32>
    %eq3A = arith.constant 0 : i32
    %eq3A_4 = arith.cmpi eq, %arg0, %eq3A : i32
    %convert_element_type3A = arith.extui %eq3A_4 : i1 to i32
    %cond3A = arith.constant 0 : i32
    %cond3A_5 = arith.cmpi ne, %convert_element_type3A, %cond3A : i32
    scf.if %cond3A_5 {
      %swap3A = arith.constant 0 : index
      %swap3A_15 = arith.constant 0 : index
      %swap3A_16 = vector.load %arg2[%swap3A, %swap3A_15] : memref<16x768xf32, #tpu.memory_space<vmem>>, vector<16x768xf32>
      tpu.vector_store %arg2[%swap3A, %swap3A_15], %reduce_sum3A_3 {strides = array<i32>} : memref<16x768xf32, #tpu.memory_space<vmem>>, vector<16x768xf32>,
    } else {
    }
    %gt3A = arith.constant 0 : i32
    %gt3A_6 = arith.cmpi sgt, %arg0, %gt3A : i32
    %convert_element_type3A_7 = arith.extui %gt3A_6 : i1 to i32
    %cond3A_8 = arith.constant 0 : i32
    %cond3A_9 = arith.cmpi ne, %convert_element_type3A_7, %cond3A_8 : i32
    scf.if %cond3A_9 {
      %get3A_15 = arith.constant 0 : index
      %get3A_16 = arith.constant 0 : index
      %get3A_17 = vector.load %arg2[%get3A_15, %get3A_16] : memref<16x768xf32, #tpu.memory_space<vmem>>, vector<16x768xf32>
      %add3A = arith.addf %get3A_17, %reduce_sum3A_3 : vector<16x768xf32>
      %swap3A = arith.constant 0 : index
      %swap3A_18 = arith.constant 0 : index
      %swap3A_19 = vector.load %arg2[%swap3A, %swap3A_18] : memref<16x768xf32, #tpu.memory_space<vmem>>, vector<16x768xf32>
      tpu.vector_store %arg2[%swap3A, %swap3A_18], %add3A {strides = array<i32>} : memref<16x768xf32, #tpu.memory_space<vmem>>, vector<16x768xf32>,
    } else {
    }
    %eq3A_10 = arith.constant 15 : i32
    %eq3A_11 = arith.cmpi eq, %arg0, %eq3A_10 : i32
    %convert_element_type3A_12 = arith.extui %eq3A_11 : i1 to i32
    %cond3A_13 = arith.constant 0 : i32
    %cond3A_14 = arith.cmpi ne, %convert_element_type3A_12, %cond3A_13 : i32
    scf.if %cond3A_14 {
      %get3A_15 = arith.constant 0 : index
      %get3A_16 = arith.constant 0 : index
      %get3A_17 = vector.load %arg2[%get3A_15, %get3A_16] : memref<16x768xf32, #tpu.memory_space<vmem>>, vector<16x768xf32>
      %mul3A = arith.constant 4.8828125E-4 : f32
      %mul3A_18 = vector.broadcast %mul3A : f32 to vector<16x768xf32>
      %mul3A_19 = arith.mulf %get3A_17, %mul3A_18 : vector<16x768xf32>
      %mul3A_20 = arith.mulf %mul3A_19, %mul3A_19 : vector<16x768xf32>
      %reduce_sum3A_21 = arith.constant dense<0.000000e+00> : vector<16xf32>
      %reduce_sum3A_22 = vector.multi_reduction <add>, %mul3A_20, %reduce_sum3A_21 [1] : vector<16x768xf32> to vector<16xf32>
      %broadcast_in_dim3A = vector.shape_cast %reduce_sum3A_22 : vector<16xf32> to vector<16x1xf32>
      %max3A = arith.constant 9.99999996E-13 : f32
      %max3A_23 = vector.broadcast %max3A : f32 to vector<16x1xf32>
      %max3A_24 = arith.maximumf %broadcast_in_dim3A, %max3A_23 : vector<16x1xf32>
      %rsqrt3A = math.rsqrt %max3A_24 : vector<16x1xf32>
      %mul3A_25 = vector.broadcast %rsqrt3A : vector<16x1xf32> to vector<16x768xf32>
      %mul3A_26 = arith.mulf %mul3A_19, %mul3A_25 : vector<16x768xf32>
      %swap3A = arith.constant 0 : index
      %swap3A_27 = arith.constant 0 : index
      %swap3A_28 = vector.load %arg2[%swap3A, %swap3A_27] : memref<16x768xf32, #tpu.memory_space<vmem>>, vector<16x768xf32>
      tpu.vector_store %arg2[%swap3A, %swap3A_27], %mul3A_26 {strides = array<i32>} : memref<16x768xf32, #tpu.memory_space<vmem>>, vector<16x768xf32>,
    } else {
    }
    return
  }
  func.func @transform_0(%arg0: i32) -> (i32, i32, i32) {
    %c0_i32 = arith.constant 0 : i32
    %c0_i32_0 = arith.constant 0 : i32
    %c0_i32_1 = arith.constant 0 : i32
    return %arg0, %c0_i32, %c0_i32_0 : i32, i32, i32
  }
  func.func @transform_1(%arg0: i32) -> (i32, i32) {
    %c0_i32 = arith.constant 0 : i32
    %c0_i32_0 = arith.constant 0 : i32
    %c0_i32_1 = arith.constant 0 : i32
    return %c0_i32, %c0_i32_0 : i32, i32
  }
}

</mosaic_0001>

<sc_bundles>
// kernel: kernel.5.cloned.1.call-start
scs
__scs_entry_jumppad:
0x0: {  	(pc) =	sbr.rel $0x88, $3  }
0x1: {  	(tag) =	ssettag $0x0;
	lr =	simm.s32 $0x1  }
0x2: {  	[smem:$0x3F9D] =	sst lr;
	_ =	strace $0xD0000000  }
0x3: {  	_ = 	snop  }
0x4: {  	_ = 	snop  }
0x5: {  	_ = 	snop  }
0x6: {  	_ = 	snop  }
0x7: {  	_ = 	snop  }
__scs_overlays_trampoline_lowered:
0x8: {  	[smem:$0x3FAC] =	sst s0  }
0x9: {  	[smem:$0x3FAD] =	sst s1  }
0xa: {  	[smem:$0x3FAE] =	sst s2  }
0xb: {  	[smem:$0x3FAF] =	sst s3  }
0xc: {  	[smem:$0x3FB0] =	sst s4  }
0xd: {  	[smem:$0x3FB1] =	sst s5  }
0xe: {  	[smem:$0x3FB2] =	sst s6  }
0xf: {  	[smem:$0x3FB3] =	sst s7  }
0x10: {  	[smem:$0x3FB4] =	sst s8  }
0x11: {  	[smem:$0x3FB5] =	sst s9;
	s0 =	simm.s32 @!p0 $0x0  }
0x12: {  	s1 =	sld [smem:$0x3F9B];
	s0 =	simm.s32 @p0 $0x1  }
0x13: {  	[smem:$0x3FB6] =	sst s0;
	s0 =	simm.s32 @!p1 $0x0  }
0x14: {  	s2 =	sld [smem:$0x3F9A];
	s0 =	simm.s32 @p1 $0x1  }
0x15: {  	[smem:$0x3FB7] =	sst s0;
	s0 =	simm.s32 @!p2 $0x0  }
0x16: {  	s3 =	sld [smem:$0x3FDB];
	s0 =	simm.s32 @p2 $0x1  }
0x17: {  	s4 =	simm.s32 $0x1BF5;
	[smem:$0x3FB9] =	sst s0  }
0x18: {  	s0 =	sld [smem:$0x3F9C];
	_ =	swait.ge [sflag:s4], $0x0  }
0x19: {  	s7 =	sld [smem:$0x3F9D]  }
0x1a: {  	s8 =	sadd.s32 $0xFFFFE003, lr  }
0x1b: {  	s9 =	sadd.s32 $0xFFFFFEF7, lr;
	s5 =	simm.s32 $0xFFFFFFFF;
	p2 =	slt.u32 s8, $0xFFFFF086  }
0x1c: {  	p1 =	slt.u32 s9, $0xF7A;
	s5 =	simm.s32 @!p2 $0x0  }
0x1d: {  	s5 =	simm.s32 @p1 $0x1;
	p0 =	seq.s32 s7, s2  }
0x1e: {  	s7 =	smul.u32 @!p0 $0xF7A, s2;
	p2 =	seq.s32 @!p0 s5, $0x0  }
0x1f: {  	s9 =	smul.u32 $0xF7A, s1;
	s8 =	simm.s32 @!p0 $0x1BF5;
	p2 =	por !p2, p0  }
0x20: {  	[sflag:s8] =	ssyncset.s32 @!p0 $0xFFFFF086;
	s6 =	sadd.s32 @!p0 s3, s7;
	s7 =	simm.s32 @!p0 $0x108  }
0x21: {  	s3 =	sadd.s32 s3, s9;
	s6 =	sadd.s32 @!p0 $0x88, s6;
	s7 =	simm.s32 @p2 $0x1082  }
0x22: {  	[simem:s7], [sflag:s8] =	dma.local @!p0 [hbm:s6], $0xF7A  }
0x23: {  	s9 =	sor.u32 $0xD0000000, s2;
	s6 =	simm.s32 $0x108;
	_ =	swait.ge @!p0 [sflag:s8], $0x0  }
0x24: {  	s3 =	sadd.s32 $0x88, s3;
	s6 =	simm.s32 @!p1 $0x1082;
	[sflag:s4] =	ssyncset.s32 $0xFFFFF086  }
0x25: {  	[simem:s6], [sflag:s4] =	dma.local [hbm:s3], $0xF7A  }
0x26: {  	[smem:$0x3F9D] =	sst s1;
	(tag) =	ssettag s2;
	_ =	strace s9  }
0x27: {  	s1 =	sld [smem:$0x3FAD]  }
0x28: {  	s2 =	sld [smem:$0x3FAE]  }
0x29: {  	s4 =	sld [smem:$0x3FB0]  }
0x2a: {  	p0 =	seq.s32 s5, $0x0;
	s5 =	sld [smem:$0x3FB1]  }
0x2b: {  	s6 =	sld [smem:$0x3FB2]  }
0x2c: {  	s7 =	sld [smem:$0x3FB3]  }
0x2d: {  	s3 =	simm.s32 $0x108;
	s8 =	sld [smem:$0x3FB4]  }
0x2e: {  	s3 =	simm.s32 @!p0 $0x1082;
	s9 =	sld [smem:$0x3FB5]  }
0x2f: {  	lr =	sadd.s32 s0, s3;
	s0 =	sld [smem:$0x3FAC]  }
0x30: {  	s3 =	sld [smem:$0x3FAF]  }
0x31: {  	[smem:$0x3FB8] =	sst s10  }
0x32: {  	s10 =	sld [smem:$0x3FB6];
	_ =	sdelay $0x3  }
0x33: {  	p0 =	seq.s32 s10, $0x1;
	s10 =	sld [smem:$0x3FB8];
	_ =	sdelay $0x3  }
0x34: {  	[smem:$0x3FB8] =	sst s10  }
0x35: {  	s10 =	sld [smem:$0x3FB7];
	_ =	sdelay $0x3  }
0x36: {  	p1 =	seq.s32 s10, $0x1;
	s10 =	sld [smem:$0x3FB8];
	_ =	sdelay $0x3  }
0x37: {  	[smem:$0x3FB8] =	sst s10  }
0x38: {  	s10 =	sld [smem:$0x3FB9]  }
0x39: {  	_ = 	snop;
	(pc) =	sbr.ind lr, $3  }
0x3a: {  	_ = 	snop  }
0x3b: {  	_ = 	snop  }
0x3c: {  	p2 =	seq.s32 s10, $0x1;
	s10 =	sld [smem:$0x3FB8]  }
0x3d: {  	_ =	shalt  }
0x3e: {  	_ =	shalt  }
0x3f: {  	_ =	shalt  }
0x40: {  	_ =	shalt  }
0x41: {  	_ =	shalt  }
0x42: {  	_ =	shalt  }
0x43: {  	_ =	shalt  }
0x44: {  	_ =	shalt  }
0x45: {  	_ =	shalt  }
0x46: {  	_ =	shalt  }
0x47: {  	_ =	shalt  }
0x48: {  	_ =	shalt  }
0x49: {  	_ =	shalt  }
0x4a: {  	_ =	shalt  }
0x4b: {  	_ =	shalt  }
0x4c: {  	_ =	shalt  }
0x4d: {  	_ =	shalt  }
0x4e: {  	_ =	shalt  }
0x4f: {  	_ =	shalt  }
0x50: {  	_ =	shalt  }
0x51: {  	_ =	shalt  }
0x52: {  	_ =	shalt  }
0x53: {  	_ =	shalt  }
0x54: {  	_ =	shalt  }
0x55: {  	_ =	shalt  }
0x56: {  	_ =	shalt  }
0x57: {  	_ =	shalt  }
0x58: {  	_ =	shalt  }
0x59: {  	_ =	shalt  }
0x5a: {  	_ =	shalt  }
0x5b: {  	_ =	shalt  }
0x5c: {  	_ =	shalt  }
0x5d: {  	_ =	shalt  }
0x5e: {  	_ =	shalt  }
0x5f: {  	_ =	shalt  }
0x60: {  	_ =	shalt  }
0x61: {  	_ =	shalt  }
0x62: {  	_ =	shalt  }
0x63: {  	_ =	shalt  }
0x64: {  	_ =	shalt  }
0x65: {  	_ =	shalt  }
0x66: {  	_ =	shalt  }
0x67: {  	_ =	shalt  }
0x68: {  	_ =	shalt  }
0x69: {  	_ =	shalt  }
0x6a: {  	_ =	shalt  }
0x6b: {  	_ =	shalt  }
0x6c: {  	_ =	shalt  }
0x6d: {  	_ =	shalt  }
0x6e: {  	_ =	shalt  }
0x6f: {  	_ =	shalt  }
0x70: {  	_ =	shalt  }
0x71: {  	_ =	shalt  }
0x72: {  	_ =	shalt  }
0x73: {  	_ =	shalt  }
0x74: {  	_ =	shalt  }
0x75: {  	_ =	shalt  }
0x76: {  	_ =	shalt  }
0x77: {  	_ =	shalt  }
0x78: {  	_ =	shalt  }
0x79: {  	_ =	shalt  }
0x7a: {  	_ =	shalt  }
0x7b: {  	_ =	shalt  }
0x7c: {  	_ =	shalt  }
0x7d: {  	_ =	shalt  }
0x7e: {  	_ =	shalt  }
0x7f: {  	_ =	shalt  }
0x80: {  	_ =	shalt  }
0x81: {  	_ =	shalt  }
0x82: {  	_ =	shalt  }
0x83: {  	_ =	shalt  }
0x84: {  	_ =	shalt  }
0x85: {  	_ =	shalt  }
0x86: {  	_ =	shalt  }
0x87: {  	_ =	shalt  }
.Lfunc_end0:
.L_simem_size_0:
called_computation_lowered:
.L_overlay_start_0:
0x88: {  	s0 =	sld [smem:$0x3FD9]  }
0x89: {  	s1 =	sld [smem:$0x3FFE];
	_ =	sdelay $0x3  }
0x8a: {  	s0 =	sadd.s32 s1, s0  }
0x8b: {  	[smem:$0x3FC4] =	sst s0  }
0x8c: {  	_ = 	snop  }
0x8d: {  	s0 =	sld [smem:$0x3FD0];
	_ =	sdelay $0x1  }
0x8e: {  	s14 =	sld [smem:$0x3FC7]  }
0x8f: {  	s3 =	simm.s32 $0xA;
	s4 =	simm.s32 $0x10;
	s2 =	sld [smem:$0x3FC6]  }
0x90: {  	[smem:s4], [sflag:s3] =	dma.local [hbm:s0], $0x1  }
0x91: {  	_ =	swait.eq [sflag:s3], $0x1  }
0x92: {  	s15 =	sld [smem:$0x10]  }
0x93: {  	s16 =	sld [smem:$0x12];
	[sflag:s3] =	ssyncset.done $0x0  }
0x94: {  	s5 =	sld [smem:$0x13];
	[sflag:s3] =	ssyncadd.s32 $0xFFFFFFFF  }
0x95: {  	s17 =	sld [smem:$0x14];
	(tm) =	ssettm $0x1  }
0x96: {  	s6 =	sld [smem:$0x3FFB];
	_ =	sdelay $0x3  }
0x97: {  	_ =	strace s6  }
0x98: {  	s6 =	sld [smem:$0x3FFC];
	_ =	sdelay $0x3  }
0x99: {  	_ =	strace s6  }
0x9a: {  	s6 =	sld [smem:$0x3FFD];
	_ =	sdelay $0x3  }
0x9b: {  	_ =	strace s6  }
0x9c: {  	_ =	strace $0x8FFFFFFF  }
0x9d: {  	s18 =	sld [smem:$0x3FDB];
	_ =	sdelay $0x1  }
0x9e: {  	s7 =	simm.s32 $_scs_section_size  }
0x9f: {  	s8 =	simm.s32 $_size__tile_overlayer_lowered;
	s9 =	simm.s32 $_tile_overlayer_lowered  }
0xa0: {  	s21 =	simm.s32 $0x1BFF;
	s20 =	sshll.u32 s9, $0x1;
	s6 =	sadd.s32 s7, s18  }
0xa1: {  	s10 =	simm.s32 $0x0;
	s19 =	sshll.u32 s8, $0x1;
	s8 =	sadd.s32 s20, s6  }
0xa2: {  	[timem:s10], [sflag:s21] =	dma.local [hbm:s8], s19  }
0xa3: {  	_ =	swait.ge [sflag:s21], s19  }
0xa4: {  	s7 =	ssub.s32 $0x0, s19;
	[sflag:s21] =	ssyncset.done $0x0  }
0xa5: {  	[sflag:s21] =	ssyncadd.s32 s7;
	_ =	sdelay $0x1  }
0xa6: {  	s22 =	simm.s32 $0x1B8B  }
0xa7: {  	_ =	swait.ge [sflag:s22], $0x1  }
0xa8: {  	[sflag:s22] =	ssyncset.done $0x0  }
0xa9: {  	s23 =	simm.s32 $0x1B8E;
	[sflag:s22] =	ssyncadd.s32 $0xFFFFFFFF  }
0xaa: {  	s24 =	simm.s32 $execute0_lowered;
	[smem:$0x3FD2] =	sst s23  }
0xab: {  	s7 =	sshll.u32 s24, $0x1;
	_ =	strace $0x80000046;
	[dreg:$0x1] =	wrdreg $0xFFFFFFFF  }
0xac: {  	s25 =	simm.s32 $_size_execute0_lowered;
	s6 =	sadd.s32 s6, s7;
	[dreg:$0x0] =	wrdreg $0x0  }
0xad: {  	s7 =	sshll.u32 s25, $0x1;
	[dreg:$0x2] =	wrdreg s6  }
0xae: {  	[dreg:$0x3] =	wrdreg s7  }
0xaf: {  	[dreg:$0x4] =	wrdreg $0xC0  }
0xb0: {  	_ =	task [dreg:s10], $0x5FFFF  }
0xb1: {  	[dreg:$0x1] =	wrdreg $0xFFFFFFFF  }
0xb2: {  	[dreg:$0x0] =	wrdreg $0x60  }
0xb3: {  	[dreg:$0x2] =	wrdreg s14  }
0xb4: {  	[dreg:$0x3] =	wrdreg s15  }
0xb5: {  	[dreg:$0x4] =	wrdreg s2  }
0xb6: {  	[dreg:$0x5] =	wrdreg s16  }
0xb7: {  	[dreg:$0x6] =	wrdreg s5  }
0xb8: {  	[dreg:$0x7] =	wrdreg s17  }
0xb9: {  	[dreg:$0x8] =	wrdreg $0x9  }
0xba: {  	_ =	task.clear_ibuf [dreg:s10], $0x9FFFF;
	_ =	strace $0x90000046  }
0xbb: {  	s26 =	simm.s32 $0x9;
	_ =	strace $0x80000048  }
0xbc: {  	_ =	swait.ge [sflag:s26], $0x1  }
0xbd: {  	[sflag:s26] =	ssyncadd.s32 $0xFFFFFFFF  }
0xbe: {  	_ =	strace $0x90000048  }
0xbf: {  	_ =	sfence  }
0xc0: {  	s28 =	sld [smem:$0x0];
	_ =	sdelay $0x1  }
0xc1: {  	s29 =	srdreg.scid  }
0xc2: {  	s30 =	sshll.u32 s29, $0xD;
	s31 =	sshrl.u32 s29, $0x2  }
0xc3: {  	s1 =	sand.u32 $0x1, s29;
	s2 =	sand.u32 $0x4000, s30;
	s0 =	sadd.s32 s31, s28  }
0xc4: {  	s1 =	sor.u32 s2, s1;
	s0 =	sshll.u32 s0, $0x11  }
0xc5: {  	s0 =	sor.u32 s0, s1  }
0xc6: {  	s0 =	sadd.s32 $0x8F2B, s0  }
0xc7: {  	[sflag:s0] =	ssyncadd.remote.s32 $0x1  }
0xc8: {  	_ =	sfence.sel $0xFFFF  }
0xc9: {  	[dreg:$0x0] =	wrdreg $0xFFFFFFFF;
	(pc) =	sbr.abs _section_cstart, $3  }
0xca: {  	[dreg:$0x1] =	wrdreg $0xFFFFFFFF  }
0xcb: {  	_ =	task.clear_ibuf [dreg:s10], $0x2FFFF;
	_ =	strace $0x9FFFFFFF  }
0xcc: {  	(tm) =	ssettm $0x7FFFFFFF  }
0xcd: {  	_ =	shalt  }
tec
execute0_lowered:
.L_overlay_start_1:
0x0: {  	(tag) =	ssettag $0x1  }
0x1: {  	s5 =	rddreg [dreg:$0x0]  }
0x2: {  	s4 =	rddreg [dreg:$0x1]  }
0x3: {  	s6 =	rddreg [dreg:$0x2]  }
0x4: {  	s8 =	rddreg [dreg:$0x3]  }
0x5: {  	s7 =	rddreg [dreg:$0x4]  }
0x6: {  	s2 =	rddreg [dreg:$0x5];
	s3 =	simm.s32 $0x0;
	s1 =	stileid.u32  }
0x7: {  	[smem:$0x7FF] =	sst s3;
	s9 =	sshll.u32 s1, $0x4  }
0x8: {  	s0 =	rddreg [dreg:$0x6];
	_ =	strace $0x80000047;
	s4 =	sadd.s32 s4, s9  }
0x9: {  	[tilespmem:s3], [sflag:$0x2] =	stream.linear.gather [hbm4b:s4+s3], $0x80, $0x38;
	[tilespmem:$0xD880] =	vst v63  }
0xa: {  	s4 =	simm.s32 $0x2  }
0xb: {  	_ =	swait.ge [sflag:s4], $0x80  }
0xc: {  	[sflag:s4] =	ssyncset.done $0x0  }
0xd: {  	[sflag:s4] =	ssyncadd.s32 $0xFFFFFF80  }
0xe: {  	v0 =	vld.msk [tilespmem:$0x0], $0xff;
	_ =	sdelay $0x4  }
0xf: {  	v1 =	vmul.u32 $0x1800, v0  }
0x10: {  	v61 =	vlaneseq.u32  }
0x11: {  	v1 =	vperm.xlane v1, v61;
	_ =	sdelay $0x4  }
0x12: {  	vm0 =	vmmov $0xff;
	s10 =	simm.s32 $0x80  }
0x13: {  	[tilespmem:s10], [sflag:$0x1] =	stream.indirect_vreg.gather [hbm4b:s5+s3], $0x1800, v1, vm0, $0x38;
	[tilespmem:$0xD880] =	vst v63  }
0x14: {  	s5 =	simm.s32 $0x1  }
0x15: {  	s9 =	smul.u32 $0xC00, s1;
	_ =	swait.ge [sflag:s5], $0xC000  }
0x16: {  	[sflag:s5] =	ssyncset.done $0x0  }
0x17: {  	s11 =	sadd.s32 s8, s9;
	[sflag:s5] =	ssyncadd.s32 $0xFFFF4000  }
0x18: {  	[hbm4b:s11+s3] =	stream.linear.scatter [tilespmem:s10], [sflag:$0x1], $0x200, $0x38;
	[tilespmem:$0xD880] =	vst v63  }
0x19: {  	s12 =	simm.s32 $0x480;
	s24 =	sadd.s32 $0x80, s11  }
0x1a: {  	[hbm4b:s24+s3] =	stream.linear.scatter [tilespmem:s12], [sflag:$0x1], $0x200, $0x38;
	[tilespmem:$0xD880] =	vst v63  }
0x1b: {  	s26 =	simm.s32 $0x880;
	s25 =	sadd.s32 $0x100, s11  }
0x1c: {  	[hbm4b:s25+s3] =	stream.linear.scatter [tilespmem:s26], [sflag:$0x1], $0x200, $0x38;
	[tilespmem:$0xD880] =	vst v63  }
0x1d: {  	s29 =	simm.s32 $0xC80;
	s28 =	sadd.s32 $0x180, s11  }
0x1e: {  	[hbm4b:s28+s3] =	stream.linear.scatter [tilespmem:s29], [sflag:$0x1], $0x200, $0x38;
	[tilespmem:$0xD880] =	vst v63  }
0x1f: {  	s31 =	simm.s32 $0x1080;
	s30 =	sadd.s32 $0x200, s11  }
0x20: {  	[hbm4b:s30+s3] =	stream.linear.scatter [tilespmem:s31], [sflag:$0x1], $0x200, $0x38;
	[tilespmem:$0xD880] =	vst v63  }
0x21: {  	s13 =	simm.s32 $0x1480;
	s12 =	sadd.s32 $0x280, s11  }
0x22: {  	[hbm4b:s12+s3] =	stream.linear.scatter [tilespmem:s13], [sflag:$0x1], $0x200, $0x38;
	[tilespmem:$0xD880] =	vst v63  }
0x23: {  	s15 =	simm.s32 $0x280;
	s14 =	sadd.s32 s7, s9  }
0x24: {  	[hbm4b:s14+s3] =	stream.linear.scatter [tilespmem:s15], [sflag:$0x1], $0x200, $0x38;
	[tilespmem:$0xD880] =	vst v63  }
0x25: {  	s17 =	simm.s32 $0x680;
	s16 =	sadd.s32 $0x80, s14  }
0x26: {  	[hbm4b:s16+s3] =	stream.linear.scatter [tilespmem:s17], [sflag:$0x1], $0x200, $0x38;
	[tilespmem:$0xD880] =	vst v63  }
0x27: {  	s19 =	simm.s32 $0xA80;
	s18 =	sadd.s32 $0x100, s14  }
0x28: {  	[hbm4b:s18+s3] =	stream.linear.scatter [tilespmem:s19], [sflag:$0x1], $0x200, $0x38;
	[tilespmem:$0xD880] =	vst v63  }
0x29: {  	s21 =	simm.s32 $0xE80;
	s20 =	sadd.s32 $0x180, s14  }
0x2a: {  	[hbm4b:s20+s3] =	stream.linear.scatter [tilespmem:s21], [sflag:$0x1], $0x200, $0x38;
	[tilespmem:$0xD880] =	vst v63  }
0x2b: {  	s23 =	simm.s32 $0x1280;
	s22 =	sadd.s32 $0x200, s14  }
0x2c: {  	[hbm4b:s22+s3] =	stream.linear.scatter [tilespmem:s23], [sflag:$0x1], $0x200, $0x38;
	[tilespmem:$0xD880] =	vst v63  }
0x2d: {  	s10 =	sadd.s32 $0x280, s14;
	s24 =	simm.s32 $0x1680;
	s25 =	sor.u32 $0x40, s9  }
0x2e: {  	[hbm4b:s10+s3] =	stream.linear.scatter [tilespmem:s24], [sflag:$0x1], $0x200, $0x38;
	[tilespmem:$0xD880] =	vst v63  }
0x2f: {  	s26 =	sadd.s32 s8, s25;
	s28 =	simm.s32 $0x1880  }
0x30: {  	[hbm4b:s26+s3] =	stream.linear.scatter [tilespmem:s28], [sflag:$0x1], $0x200, $0x38;
	[tilespmem:$0xD880] =	vst v63  }
0x31: {  	s29 =	sadd.s32 $0x80, s26;
	s13 =	simm.s32 $0x1C80  }
0x32: {  	[hbm4b:s29+s3] =	stream.linear.scatter [tilespmem:s13], [sflag:$0x1], $0x200, $0x38;
	[tilespmem:$0xD880] =	vst v63  }
0x33: {  	s30 =	sadd.s32 $0x100, s26;
	s31 =	simm.s32 $0x2080  }
0x34: {  	[hbm4b:s30+s3] =	stream.linear.scatter [tilespmem:s31], [sflag:$0x1], $0x200, $0x38;
	[tilespmem:$0xD880] =	vst v63  }
0x35: {  	s14 =	simm.s32 $0x2480;
	s13 =	sadd.s32 $0x180, s26  }
0x36: {  	[hbm4b:s13+s3] =	stream.linear.scatter [tilespmem:s14], [sflag:$0x1], $0x200, $0x38;
	[tilespmem:$0xD880] =	vst v63  }
0x37: {  	s15 =	sadd.s32 $0x200, s26;
	s16 =	simm.s32 $0x2880  }
0x38: {  	[hbm4b:s15+s3] =	stream.linear.scatter [tilespmem:s16], [sflag:$0x1], $0x200, $0x38;
	[tilespmem:$0xD880] =	vst v63  }
0x39: {  	s11 =	sadd.s32 $0x280, s26;
	s17 =	simm.s32 $0x2C80  }
0x3a: {  	[hbm4b:s11+s3] =	stream.linear.scatter [tilespmem:s17], [sflag:$0x1], $0x200, $0x38;
	[tilespmem:$0xD880] =	vst v63  }
0x3b: {  	s18 =	simm.s32 $0x1A80;
	s10 =	sadd.s32 s7, s25  }
0x3c: {  	[hbm4b:s10+s3] =	stream.linear.scatter [tilespmem:s18], [sflag:$0x1], $0x200, $0x38;
	[tilespmem:$0xD880] =	vst v63  }
0x3d: {  	s20 =	simm.s32 $0x1E80;
	s19 =	sadd.s32 $0x80, s10  }
0x3e: {  	[hbm4b:s19+s3] =	stream.linear.scatter [tilespmem:s20], [sflag:$0x1], $0x200, $0x38;
	[tilespmem:$0xD880] =	vst v63  }
0x3f: {  	s22 =	simm.s32 $0x2280;
	s21 =	sadd.s32 $0x100, s10  }
0x40: {  	[hbm4b:s21+s3] =	stream.linear.scatter [tilespmem:s22], [sflag:$0x1], $0x200, $0x38;
	[tilespmem:$0xD880] =	vst v63  }
0x41: {  	s24 =	simm.s32 $0x2680;
	s23 =	sadd.s32 $0x180, s10  }
0x42: {  	[hbm4b:s23+s3] =	stream.linear.scatter [tilespmem:s24], [sflag:$0x1], $0x200, $0x38;
	[tilespmem:$0xD880] =	vst v63  }
0x43: {  	s25 =	sadd.s32 $0x200, s10;
	s26 =	simm.s32 $0x2A80  }
0x44: {  	[hbm4b:s25+s3] =	stream.linear.scatter [tilespmem:s26], [sflag:$0x1], $0x200, $0x38;
	[tilespmem:$0xD880] =	vst v63  }
0x45: {  	s28 =	simm.s32 $0x2E80;
	s29 =	sor.u32 $0x300, s9;
	s10 =	sadd.s32 $0x280, s10  }
0x46: {  	[hbm4b:s10+s3] =	stream.linear.scatter [tilespmem:s28], [sflag:$0x1], $0x200, $0x38;
	[tilespmem:$0xD880] =	vst v63  }
0x47: {  	s30 =	sadd.s32 s8, s29;
	s31 =	simm.s32 $0x3080  }
0x48: {  	[hbm4b:s30+s3] =	stream.linear.scatter [tilespmem:s31], [sflag:$0x1], $0x200, $0x38;
	[tilespmem:$0xD880] =	vst v63  }
0x49: {  	s13 =	sadd.s32 $0x80, s30;
	s14 =	simm.s32 $0x3480  }
0x4a: {  	[hbm4b:s13+s3] =	stream.linear.scatter [tilespmem:s14], [sflag:$0x1], $0x200, $0x38;
	[tilespmem:$0xD880] =	vst v63  }
0x4b: {  	s15 =	sadd.s32 $0x100, s30;
	s16 =	simm.s32 $0x3880  }
0x4c: {  	[hbm4b:s15+s3] =	stream.linear.scatter [tilespmem:s16], [sflag:$0x1], $0x200, $0x38;
	[tilespmem:$0xD880] =	vst v63  }
0x4d: {  	s17 =	sadd.s32 $0x180, s30;
	s18 =	simm.s32 $0x3C80  }
0x4e: {  	[hbm4b:s17+s3] =	stream.linear.scatter [tilespmem:s18], [sflag:$0x1], $0x200, $0x38;
	[tilespmem:$0xD880] =	vst v63  }
0x4f: {  	s19 =	sadd.s32 $0x200, s30;
	s20 =	simm.s32 $0x4080  }
0x50: {  	[hbm4b:s19+s3] =	stream.linear.scatter [tilespmem:s20], [sflag:$0x1], $0x200, $0x38;
	[tilespmem:$0xD880] =	vst v63  }
0x51: {  	s11 =	sadd.s32 $0x280, s30;
	s21 =	simm.s32 $0x4480  }
0x52: {  	[hbm4b:s11+s3] =	stream.linear.scatter [tilespmem:s21], [sflag:$0x1], $0x200, $0x38;
	[tilespmem:$0xD880] =	vst v63  }
0x53: {  	s22 =	simm.s32 $0x3280;
	s10 =	sadd.s32 s7, s29  }
0x54: {  	[hbm4b:s10+s3] =	stream.linear.scatter [tilespmem:s22], [sflag:$0x1], $0x200, $0x38;
	[tilespmem:$0xD880] =	vst v63  }
0x55: {  	s24 =	simm.s32 $0x3680;
	s23 =	sadd.s32 $0x80, s10  }
0x56: {  	[hbm4b:s23+s3] =	stream.linear.scatter [tilespmem:s24], [sflag:$0x1], $0x200, $0x38;
	[tilespmem:$0xD880] =	vst v63  }
0x57: {  	s26 =	simm.s32 $0x3A80;
	s25 =	sadd.s32 $0x100, s10  }
0x58: {  	[hbm4b:s25+s3] =	stream.linear.scatter [tilespmem:s26], [sflag:$0x1], $0x200, $0x38;
	[tilespmem:$0xD880] =	vst v63  }
0x59: {  	s29 =	simm.s32 $0x3E80;
	s28 =	sadd.s32 $0x180, s10  }
0x5a: {  	[hbm4b:s28+s3] =	stream.linear.scatter [tilespmem:s29], [sflag:$0x1], $0x200, $0x38;
	[tilespmem:$0xD880] =	vst v63  }
0x5b: {  	s30 =	sadd.s32 $0x200, s10;
	s31 =	simm.s32 $0x4280  }
0x5c: {  	[hbm4b:s30+s3] =	stream.linear.scatter [tilespmem:s31], [sflag:$0x1], $0x200, $0x38;
	[tilespmem:$0xD880] =	vst v63  }
0x5d: {  	s12 =	simm.s32 $0x4680;
	s9 =	sor.u32 $0x340, s9;
	s10 =	sadd.s32 $0x280, s10  }
0x5e: {  	[hbm4b:s10+s3] =	stream.linear.scatter [tilespmem:s12], [sflag:$0x1], $0x200, $0x38;
	[tilespmem:$0xD880] =	vst v63  }
0x5f: {  	s13 =	sadd.s32 s8, s9;
	s14 =	simm.s32 $0x4880  }
0x60: {  	[hbm4b:s13+s3] =	stream.linear.scatter [tilespmem:s14], [sflag:$0x1], $0x200, $0x38;
	[tilespmem:$0xD880] =	vst v63  }
0x61: {  	s15 =	sadd.s32 $0x80, s13;
	s16 =	simm.s32 $0x4C80  }
0x62: {  	[hbm4b:s15+s3] =	stream.linear.scatter [tilespmem:s16], [sflag:$0x1], $0x200, $0x38;
	[tilespmem:$0xD880] =	vst v63  }
0x63: {  	s17 =	sadd.s32 $0x100, s13;
	s18 =	simm.s32 $0x5080  }
0x64: {  	[hbm4b:s17+s3] =	stream.linear.scatter [tilespmem:s18], [sflag:$0x1], $0x200, $0x38;
	[tilespmem:$0xD880] =	vst v63  }
0x65: {  	s19 =	sadd.s32 $0x180, s13;
	s20 =	simm.s32 $0x5480  }
0x66: {  	[hbm4b:s19+s3] =	stream.linear.scatter [tilespmem:s20], [sflag:$0x1], $0x200, $0x38;
	[tilespmem:$0xD880] =	vst v63  }
0x67: {  	s21 =	sadd.s32 $0x200, s13;
	s22 =	simm.s32 $0x5880  }
0x68: {  	[hbm4b:s21+s3] =	stream.linear.scatter [tilespmem:s22], [sflag:$0x1], $0x200, $0x38;
	[tilespmem:$0xD880] =	vst v63  }
0x69: {  	s23 =	simm.s32 $0x5C80;
	s10 =	sadd.s32 $0x280, s13  }
0x6a: {  	[hbm4b:s10+s3] =	stream.linear.scatter [tilespmem:s23], [sflag:$0x1], $0x200, $0x38;
	[tilespmem:$0xD880] =	vst v63  }
0x6b: {  	s9 =	sadd.s32 s7, s9;
	s24 =	simm.s32 $0x4A80  }
0x6c: {  	[hbm4b:s9+s3] =	stream.linear.scatter [tilespmem:s24], [sflag:$0x1], $0x200, $0x38;
	[tilespmem:$0xD880] =	vst v63  }
0x6d: {  	s25 =	sadd.s32 $0x80, s9;
	s26 =	simm.s32 $0x4E80  }
0x6e: {  	[hbm4b:s25+s3] =	stream.linear.scatter [tilespmem:s26], [sflag:$0x1], $0x200, $0x38;
	[tilespmem:$0xD880] =	vst v63  }
0x6f: {  	s28 =	sadd.s32 $0x100, s9;
	s29 =	simm.s32 $0x5280  }
0x70: {  	[hbm4b:s28+s3] =	stream.linear.scatter [tilespmem:s29], [sflag:$0x1], $0x200, $0x38;
	[tilespmem:$0xD880] =	vst v63  }
0x71: {  	s30 =	sadd.s32 $0x180, s9;
	s31 =	simm.s32 $0x5680  }
0x72: {  	[hbm4b:s30+s3] =	stream.linear.scatter [tilespmem:s31], [sflag:$0x1], $0x200, $0x38;
	[tilespmem:$0xD880] =	vst v63  }
0x73: {  	s12 =	sadd.s32 $0x200, s9;
	s13 =	simm.s32 $0x5A80  }
0x74: {  	[hbm4b:s12+s3] =	stream.linear.scatter [tilespmem:s13], [sflag:$0x1], $0x200, $0x38;
	[tilespmem:$0xD880] =	vst v63  }
0x75: {  	s14 =	simm.s32 $0x5E80;
	s15 =	smul.u32 $0x6000, s1;
	s9 =	sadd.s32 $0x280, s9  }
0x76: {  	[hbm4b:s9+s3] =	stream.linear.scatter [tilespmem:s14], [sflag:$0x1], $0x200, $0x38;
	[tilespmem:$0xD880] =	vst v63  }
0x77: {  	s9 =	sshrl.u32 s15, $0x3  }
0x78: {  	s16 =	sadd.s32 $0x600, s9  }
0x79: {  	s18 =	simm.s32 $0x6080;
	s17 =	sadd.s32 s8, s16  }
0x7a: {  	[hbm4b:s17+s3] =	stream.linear.scatter [tilespmem:s18], [sflag:$0x1], $0x200, $0x38;
	[tilespmem:$0xD880] =	vst v63  }
0x7b: {  	s20 =	simm.s32 $0x6480;
	s19 =	sadd.s32 $0x80, s17  }
0x7c: {  	[hbm4b:s19+s3] =	stream.linear.scatter [tilespmem:s20], [sflag:$0x1], $0x200, $0x38;
	[tilespmem:$0xD880] =	vst v63  }
0x7d: {  	s22 =	simm.s32 $0x6880;
	s21 =	sadd.s32 $0x100, s17  }
0x7e: {  	[hbm4b:s21+s3] =	stream.linear.scatter [tilespmem:s22], [sflag:$0x1], $0x200, $0x38;
	[tilespmem:$0xD880] =	vst v63  }
0x7f: {  	s24 =	simm.s32 $0x6C80;
	s23 =	sadd.s32 $0x180, s17  }
0x80: {  	[hbm4b:s23+s3] =	stream.linear.scatter [tilespmem:s24], [sflag:$0x1], $0x200, $0x38;
	[tilespmem:$0xD880] =	vst v63  }
0x81: {  	s26 =	simm.s32 $0x7080;
	s25 =	sadd.s32 $0x200, s17  }
0x82: {  	[hbm4b:s25+s3] =	stream.linear.scatter [tilespmem:s26], [sflag:$0x1], $0x200, $0x38;
	[tilespmem:$0xD880] =	vst v63  }
0x83: {  	s28 =	simm.s32 $0x7480;
	s11 =	sadd.s32 $0x280, s17  }
0x84: {  	[hbm4b:s11+s3] =	stream.linear.scatter [tilespmem:s28], [sflag:$0x1], $0x200, $0x38;
	[tilespmem:$0xD880] =	vst v63  }
0x85: {  	s29 =	simm.s32 $0x6280;
	s10 =	sadd.s32 s7, s16  }
0x86: {  	[hbm4b:s10+s3] =	stream.linear.scatter [tilespmem:s29], [sflag:$0x1], $0x200, $0x38;
	[tilespmem:$0xD880] =	vst v63  }
0x87: {  	s31 =	simm.s32 $0x6680;
	s30 =	sadd.s32 $0x80, s10  }
0x88: {  	[hbm4b:s30+s3] =	stream.linear.scatter [tilespmem:s31], [sflag:$0x1], $0x200, $0x38;
	[tilespmem:$0xD880] =	vst v63  }
0x89: {  	s13 =	simm.s32 $0x6A80;
	s12 =	sadd.s32 $0x100, s10  }
0x8a: {  	[hbm4b:s12+s3] =	stream.linear.scatter [tilespmem:s13], [sflag:$0x1], $0x200, $0x38;
	[tilespmem:$0xD880] =	vst v63  }
0x8b: {  	s15 =	simm.s32 $0x6E80;
	s14 =	sadd.s32 $0x180, s10  }
0x8c: {  	[hbm4b:s14+s3] =	stream.linear.scatter [tilespmem:s15], [sflag:$0x1], $0x200, $0x38;
	[tilespmem:$0xD880] =	vst v63  }
0x8d: {  	s16 =	sadd.s32 $0x200, s10;
	s17 =	simm.s32 $0x7280  }
0x8e: {  	[hbm4b:s16+s3] =	stream.linear.scatter [tilespmem:s17], [sflag:$0x1], $0x200, $0x38;
	[tilespmem:$0xD880] =	vst v63  }
0x8f: {  	s18 =	simm.s32 $0x7680;
	s19 =	sadd.s32 $0x640, s9;
	s10 =	sadd.s32 $0x280, s10  }
0x90: {  	[hbm4b:s10+s3] =	stream.linear.scatter [tilespmem:s18], [sflag:$0x1], $0x200, $0x38;
	[tilespmem:$0xD880] =	vst v63  }
0x91: {  	s20 =	sadd.s32 s8, s19;
	s21 =	simm.s32 $0x7880  }
0x92: {  	[hbm4b:s20+s3] =	stream.linear.scatter [tilespmem:s21], [sflag:$0x1], $0x200, $0x38;
	[tilespmem:$0xD880] =	vst v63  }
0x93: {  	s22 =	sadd.s32 $0x80, s20;
	s23 =	simm.s32 $0x7C80  }
0x94: {  	[hbm4b:s22+s3] =	stream.linear.scatter [tilespmem:s23], [sflag:$0x1], $0x200, $0x38;
	[tilespmem:$0xD880] =	vst v63  }
0x95: {  	s24 =	sadd.s32 $0x100, s20;
	s25 =	simm.s32 $0x8080  }
0x96: {  	[hbm4b:s24+s3] =	stream.linear.scatter [tilespmem:s25], [sflag:$0x1], $0x200, $0x38;
	[tilespmem:$0xD880] =	vst v63  }
0x97: {  	s26 =	sadd.s32 $0x180, s20;
	s28 =	simm.s32 $0x8480  }
0x98: {  	[hbm4b:s26+s3] =	stream.linear.scatter [tilespmem:s28], [sflag:$0x1], $0x200, $0x38;
	[tilespmem:$0xD880] =	vst v63  }
0x99: {  	s29 =	sadd.s32 $0x200, s20;
	s30 =	simm.s32 $0x8880  }
0x9a: {  	[hbm4b:s29+s3] =	stream.linear.scatter [tilespmem:s30], [sflag:$0x1], $0x200, $0x38;
	[tilespmem:$0xD880] =	vst v63  }
0x9b: {  	s11 =	sadd.s32 $0x280, s20;
	s31 =	simm.s32 $0x8C80  }
0x9c: {  	[hbm4b:s11+s3] =	stream.linear.scatter [tilespmem:s31], [sflag:$0x1], $0x200, $0x38;
	[tilespmem:$0xD880] =	vst v63  }
0x9d: {  	s12 =	simm.s32 $0x7A80;
	s10 =	sadd.s32 s7, s19  }
0x9e: {  	[hbm4b:s10+s3] =	stream.linear.scatter [tilespmem:s12], [sflag:$0x1], $0x200, $0x38;
	[tilespmem:$0xD880] =	vst v63  }
0x9f: {  	s14 =	simm.s32 $0x7E80;
	s13 =	sadd.s32 $0x80, s10  }
0xa0: {  	[hbm4b:s13+s3] =	stream.linear.scatter [tilespmem:s14], [sflag:$0x1], $0x200, $0x38;
	[tilespmem:$0xD880] =	vst v63  }
0xa1: {  	s16 =	simm.s32 $0x8280;
	s15 =	sadd.s32 $0x100, s10  }
0xa2: {  	[hbm4b:s15+s3] =	stream.linear.scatter [tilespmem:s16], [sflag:$0x1], $0x200, $0x38;
	[tilespmem:$0xD880] =	vst v63  }
0xa3: {  	s18 =	simm.s32 $0x8680;
	s17 =	sadd.s32 $0x180, s10  }
0xa4: {  	[hbm4b:s17+s3] =	stream.linear.scatter [tilespmem:s18], [sflag:$0x1], $0x200, $0x38;
	[tilespmem:$0xD880] =	vst v63  }
0xa5: {  	s19 =	sadd.s32 $0x200, s10;
	s20 =	simm.s32 $0x8A80  }
0xa6: {  	[hbm4b:s19+s3] =	stream.linear.scatter [tilespmem:s20], [sflag:$0x1], $0x200, $0x38;
	[tilespmem:$0xD880] =	vst v63  }
0xa7: {  	s21 =	simm.s32 $0x8E80;
	s22 =	sadd.s32 $0x900, s9;
	s10 =	sadd.s32 $0x280, s10  }
0xa8: {  	[hbm4b:s10+s3] =	stream.linear.scatter [tilespmem:s21], [sflag:$0x1], $0x200, $0x38;
	[tilespmem:$0xD880] =	vst v63  }
0xa9: {  	s23 =	sadd.s32 s8, s22;
	s24 =	simm.s32 $0x9080  }
0xaa: {  	[hbm4b:s23+s3] =	stream.linear.scatter [tilespmem:s24], [sflag:$0x1], $0x200, $0x38;
	[tilespmem:$0xD880] =	vst v63  }
0xab: {  	s25 =	sadd.s32 $0x80, s23;
	s26 =	simm.s32 $0x9480  }
0xac: {  	[hbm4b:s25+s3] =	stream.linear.scatter [tilespmem:s26], [sflag:$0x1], $0x200, $0x38;
	[tilespmem:$0xD880] =	vst v63  }
0xad: {  	s28 =	sadd.s32 $0x100, s23;
	s29 =	simm.s32 $0x9880  }
0xae: {  	[hbm4b:s28+s3] =	stream.linear.scatter [tilespmem:s29], [sflag:$0x1], $0x200, $0x38;
	[tilespmem:$0xD880] =	vst v63  }
0xaf: {  	s30 =	sadd.s32 $0x180, s23;
	s31 =	simm.s32 $0x9C80  }
0xb0: {  	[hbm4b:s30+s3] =	stream.linear.scatter [tilespmem:s31], [sflag:$0x1], $0x200, $0x38;
	[tilespmem:$0xD880] =	vst v63  }
0xb1: {  	s13 =	sadd.s32 $0x200, s23;
	s14 =	simm.s32 $0xA080  }
0xb2: {  	[hbm4b:s13+s3] =	stream.linear.scatter [tilespmem:s14], [sflag:$0x1], $0x200, $0x38;
	[tilespmem:$0xD880] =	vst v63  }
0xb3: {  	s11 =	sadd.s32 $0x280, s23;
	s15 =	simm.s32 $0xA480  }
0xb4: {  	[hbm4b:s11+s3] =	stream.linear.scatter [tilespmem:s15], [sflag:$0x1], $0x200, $0x38;
	[tilespmem:$0xD880] =	vst v63  }
0xb5: {  	s16 =	simm.s32 $0x9280;
	s10 =	sadd.s32 s7, s22  }
0xb6: {  	[hbm4b:s10+s3] =	stream.linear.scatter [tilespmem:s16], [sflag:$0x1], $0x200, $0x38;
	[tilespmem:$0xD880] =	vst v63  }
0xb7: {  	s18 =	simm.s32 $0x9680;
	s17 =	sadd.s32 $0x80, s10  }
0xb8: {  	[hbm4b:s17+s3] =	stream.linear.scatter [tilespmem:s18], [sflag:$0x1], $0x200, $0x38;
	[tilespmem:$0xD880] =	vst v63  }
0xb9: {  	s20 =	simm.s32 $0x9A80;
	s19 =	sadd.s32 $0x100, s10  }
0xba: {  	[hbm4b:s19+s3] =	stream.linear.scatter [tilespmem:s20], [sflag:$0x1], $0x200, $0x38;
	[tilespmem:$0xD880] =	vst v63  }
0xbb: {  	s22 =	simm.s32 $0x9E80;
	s21 =	sadd.s32 $0x180, s10  }
0xbc: {  	[hbm4b:s21+s3] =	stream.linear.scatter [tilespmem:s22], [sflag:$0x1], $0x200, $0x38;
	[tilespmem:$0xD880] =	vst v63  }
0xbd: {  	s23 =	sadd.s32 $0x200, s10;
	s24 =	simm.s32 $0xA280  }
0xbe: {  	[hbm4b:s23+s3] =	stream.linear.scatter [tilespmem:s24], [sflag:$0x1], $0x200, $0x38;
	[tilespmem:$0xD880] =	vst v63  }
0xbf: {  	s9 =	sadd.s32 $0x940, s9;
	s25 =	simm.s32 $0xA680;
	s10 =	sadd.s32 $0x280, s10  }
0xc0: {  	[hbm4b:s10+s3] =	stream.linear.scatter [tilespmem:s25], [sflag:$0x1], $0x200, $0x38;
	[tilespmem:$0xD880] =	vst v63  }
0xc1: {  	s8 =	sadd.s32 s8, s9;
	s26 =	simm.s32 $0xA880  }
0xc2: {  	[hbm4b:s8+s3] =	stream.linear.scatter [tilespmem:s26], [sflag:$0x1], $0x200, $0x38;
	[tilespmem:$0xD880] =	vst v63  }
0xc3: {  	s28 =	sadd.s32 $0x80, s8;
	s29 =	simm.s32 $0xAC80  }
0xc4: {  	[hbm4b:s28+s3] =	stream.linear.scatter [tilespmem:s29], [sflag:$0x1], $0x200, $0x38;
	[tilespmem:$0xD880] =	vst v63  }
0xc5: {  	s30 =	sadd.s32 $0x100, s8;
	s31 =	simm.s32 $0xB080  }
0xc6: {  	[hbm4b:s30+s3] =	stream.linear.scatter [tilespmem:s31], [sflag:$0x1], $0x200, $0x38;
	[tilespmem:$0xD880] =	vst v63  }
0xc7: {  	s12 =	simm.s32 $0xB480;
	s11 =	sadd.s32 $0x180, s8  }
0xc8: {  	[hbm4b:s11+s3] =	stream.linear.scatter [tilespmem:s12], [sflag:$0x1], $0x200, $0x38;
	[tilespmem:$0xD880] =	vst v63  }
0xc9: {  	s13 =	sadd.s32 $0x200, s8;
	s14 =	simm.s32 $0xB880  }
0xca: {  	[hbm4b:s13+s3] =	stream.linear.scatter [tilespmem:s14], [sflag:$0x1], $0x200, $0x38;
	[tilespmem:$0xD880] =	vst v63  }
0xcb: {  	s15 =	simm.s32 $0xBC80;
	s8 =	sadd.s32 $0x280, s8  }
0xcc: {  	[hbm4b:s8+s3] =	stream.linear.scatter [tilespmem:s15], [sflag:$0x1], $0x200, $0x38;
	[tilespmem:$0xD880] =	vst v63  }
0xcd: {  	s7 =	sadd.s32 s7, s9;
	s16 =	simm.s32 $0xAA80  }
0xce: {  	[hbm4b:s7+s3] =	stream.linear.scatter [tilespmem:s16], [sflag:$0x1], $0x200, $0x38;
	[tilespmem:$0xD880] =	vst v63  }
0xcf: {  	s17 =	sadd.s32 $0x80, s7;
	s18 =	simm.s32 $0xAE80  }
0xd0: {  	[hbm4b:s17+s3] =	stream.linear.scatter [tilespmem:s18], [sflag:$0x1], $0x200, $0x38;
	[tilespmem:$0xD880] =	vst v63  }
0xd1: {  	s19 =	sadd.s32 $0x100, s7;
	s20 =	simm.s32 $0xB280  }
0xd2: {  	[hbm4b:s19+s3] =	stream.linear.scatter [tilespmem:s20], [sflag:$0x1], $0x200, $0x38;
	[tilespmem:$0xD880] =	vst v63  }
0xd3: {  	s21 =	sadd.s32 $0x180, s7;
	s22 =	simm.s32 $0xB680  }
0xd4: {  	[hbm4b:s21+s3] =	stream.linear.scatter [tilespmem:s22], [sflag:$0x1], $0x200, $0x38;
	[tilespmem:$0xD880] =	vst v63  }
0xd5: {  	s23 =	sadd.s32 $0x200, s7;
	s24 =	simm.s32 $0xBA80  }
0xd6: {  	[hbm4b:s23+s3] =	stream.linear.scatter [tilespmem:s24], [sflag:$0x1], $0x200, $0x38;
	[tilespmem:$0xD880] =	vst v63  }
0xd7: {  	s25 =	simm.s32 $0xBE80;
	s7 =	sadd.s32 $0x280, s7  }
0xd8: {  	[hbm4b:s7+s3] =	stream.linear.scatter [tilespmem:s25], [sflag:$0x1], $0x200, $0x38;
	[tilespmem:$0xD880] =	vst v63  }
0xd9: {  	v62 =	vld.msk [tilespmem:$0x0], $0xff;
	_ =	sdelay $0x4  }
0xda: {  	v2 =	vshrl.u32 v62, $0x3  }
0xdb: {  	v2 =	vmul.u32 $0x30, v2  }
0xdc: {  	v1 =	vand.u32 $0x7, v62  }
0xdd: {  	v63 =	vand.u32 $0x7, v61;
	v0 =	vshrl.u32 v61, $0x3;
	v1 =	vor.u32 v1, v2  }
0xde: {  	v0 =	vmul.u32 $0x8, v0;
	v1 =	vperm.xlane v1, v63;
	_ =	sdelay $0x1  }
0xdf: {  	v0 =	vadd.s32 v0, v1;
	_ =	sdelay $0x3  }
0xe0: {  	vm15 =	vmmov $0xffff;
	s26 =	simm.s32 $0xC080  }
0xe1: {  	[tilespmem:s26], [sflag:$0x1] =	stream.indirect_vreg.gather [hbm4b:s6+s3], $0x80, v0, vm15, $0xb8;
	[tilespmem:$0xD880] =	vst v63  }
0xe2: {  	s28 =	sadd.s32 $0x100, s6;
	s29 =	simm.s32 $0xC880  }
0xe3: {  	[tilespmem:s29], [sflag:$0x1] =	stream.indirect_vreg.gather [hbm4b:s28+s3], $0x80, v0, vm15, $0xb8;
	[tilespmem:$0xD880] =	vst v63  }
0xe4: {  	s30 =	simm.s32 $0xD080;
	s6 =	sadd.s32 $0x200, s6  }
0xe5: {  	[tilespmem:s30], [sflag:$0x1] =	stream.indirect_vreg.gather [hbm4b:s6+s3], $0x80, v0, vm15, $0xb8;
	[tilespmem:$0xD880] =	vst v63  }
0xe6: {  	_ =	swait.ge [sflag:s5], $0xC00  }
0xe7: {  	[sflag:s5] =	ssyncset.done $0x0  }
0xe8: {  	[sflag:s5] =	ssyncadd.s32 $0xFFFFF400  }
0xe9: {  	_ =	swait.ge [sflag:s5], $0xC00  }
0xea: {  	[sflag:s5] =	ssyncset.done $0x0  }
0xeb: {  	[sflag:s5] =	ssyncadd.s32 $0xFFFFF400  }
0xec: {  	_ =	swait.ge [sflag:s5], $0xC00  }
0xed: {  	[sflag:s5] =	ssyncset.done $0x0  }
0xee: {  	[sflag:s5] =	ssyncadd.s32 $0xFFFFF400  }
0xef: {  	_ =	swait.ge [sflag:s5], $0xC00  }
0xf0: {  	[sflag:s5] =	ssyncset.done $0x0  }
0xf1: {  	[sflag:s5] =	ssyncadd.s32 $0xFFFFF400  }
0xf2: {  	_ =	swait.ge [sflag:s5], $0xC00  }
0xf3: {  	[sflag:s5] =	ssyncset.done $0x0  }
0xf4: {  	[sflag:s5] =	ssyncadd.s32 $0xFFFFF400  }
0xf5: {  	_ =	swait.ge [sflag:s5], $0xC00  }
0xf6: {  	[sflag:s5] =	ssyncset.done $0x0  }
0xf7: {  	[sflag:s5] =	ssyncadd.s32 $0xFFFFF400  }
0xf8: {  	_ =	swait.ge [sflag:s5], $0xC00  }
0xf9: {  	[sflag:s5] =	ssyncset.done $0x0  }
0xfa: {  	[sflag:s5] =	ssyncadd.s32 $0xFFFFF400  }
0xfb: {  	_ =	swait.ge [sflag:s5], $0xC00  }
0xfc: {  	[sflag:s5] =	ssyncset.done $0x0  }
0xfd: {  	[sflag:s5] =	ssyncadd.s32 $0xFFFFF400  }
0xfe: {  	_ =	swait.ge [sflag:s5], $0xC00  }
0xff: {  	[sflag:s5] =	ssyncset.done $0x0  }
0x100: {  	[sflag:s5] =	ssyncadd.s32 $0xFFFFF400  }
0x101: {  	_ =	swait.ge [sflag:s5], $0xC00  }
0x102: {  	[sflag:s5] =	ssyncset.done $0x0  }
0x103: {  	[sflag:s5] =	ssyncadd.s32 $0xFFFFF400  }
0x104: {  	_ =	swait.ge [sflag:s5], $0xC00  }
0x105: {  	[sflag:s5] =	ssyncset.done $0x0  }
0x106: {  	[sflag:s5] =	ssyncadd.s32 $0xFFFFF400  }
0x107: {  	_ =	swait.ge [sflag:s5], $0xC00  }
0x108: {  	[sflag:s5] =	ssyncset.done $0x0  }
0x109: {  	[sflag:s5] =	ssyncadd.s32 $0xFFFFF400  }
0x10a: {  	_ =	swait.ge [sflag:s5], $0xC00  }
0x10b: {  	[sflag:s5] =	ssyncset.done $0x0  }
0x10c: {  	[sflag:s5] =	ssyncadd.s32 $0xFFFFF400  }
0x10d: {  	_ =	swait.ge [sflag:s5], $0xC00  }
0x10e: {  	[sflag:s5] =	ssyncset.done $0x0  }
0x10f: {  	[sflag:s5] =	ssyncadd.s32 $0xFFFFF400  }
0x110: {  	_ =	swait.ge [sflag:s5], $0xC00  }
0x111: {  	[sflag:s5] =	ssyncset.done $0x0  }
0x112: {  	[sflag:s5] =	ssyncadd.s32 $0xFFFFF400  }
0x113: {  	_ =	swait.ge [sflag:s5], $0xC00  }
0x114: {  	[sflag:s5] =	ssyncset.done $0x0  }
0x115: {  	[sflag:s5] =	ssyncadd.s32 $0xFFFFF400  }
0x116: {  	s31 =	smul.u32 $0x300, s1;
	_ =	swait.ge [sflag:s5], $0x1800  }
0x117: {  	[sflag:s5] =	ssyncset.done $0x0  }
0x118: {  	s2 =	sadd.s32 s2, s31;
	[sflag:s5] =	ssyncadd.s32 $0xFFFFE800  }
0x119: {  	[hbm4b:s2+s3] =	stream.linear.scatter [tilespmem:s26], [sflag:$0x2], $0x1800, $0x38;
	[tilespmem:$0xD880] =	vst v63  }
0x11a: {  	_ =	swait.ge [sflag:s4], $0x1800  }
0x11b: {  	[sflag:s4] =	ssyncset.done $0x0  }
0x11c: {  	[sflag:s4] =	ssyncadd.s32 $0xFFFFE800  }
0x11d: {  	_ =	sfence.sel $0x180000  }
0x11e: {  	[bflag:$0x0] =	sbarrier.arrive $0xFFFF  }
0x11f: {  	p0 =	sne.s32 s1, $0x0;
	_ =	strace $0x90000047  }
0x120: {  	s0 =	sadd.s32 @!p0 $0x100000, s0;
	[bflag:$0x2] =	sbarrier.arrive $0xFFFF  }
0x121: {  	[sflag:s0] =	ssyncadd.tile.s32 @!p0 $0x1;
	_ =	shalt  }
.Lfunc_end2:
_tile_overlayer_lowered:
.L_overlay_start_2:
0x122: {  	(tag) =	ssettag $0x2  }
0x123: {  	s0 =	rddreg [dreg:$0x0];
	s2 =	stileid.u32  }
0x124: {  	s1 =	rddreg [dreg:$0x1];
	p0 =	sne.s32 s2, $0x0  }
0x125: {  	s3 =	rddreg [dreg:$0x2];
	[bflag:$0x3] =	sbarrier.arrive $0xFFFF;
	s2 =	simm.s32 @!p0 $0x1C02  }
0x126: {  	[timem:s3], [sflag:s2] =	dma.local @!p0 [hbm:s0], s1  }
0x127: {  	s0 =	simm.s32 @!p0 $0x2  }
0x128: {  	_ =	swait.ge @!p0 [sflag:s0], s1  }
0x129: {  	s1 =	ssub.s32 @!p0 $0x0, s1;
	[sflag:s0] =	ssyncset.done @!p0 $0x0  }
0x12a: {  	[sflag:s0] =	ssyncadd.s32 @!p0 s1  }
0x12b: {  	[bflag:$0x3] =	sbarrier.arrive $0xFFFF  }
0x12c: {  	_ =	shalt  }

</sc_bundles>
